<compile_context>
chip_gen: v7x
topology: tpu7x:2x2x1
jax: 0.10.2.dev20260603
libtpu: 0.0.44.dev20260713+nightly
codegen_flags: <defaults>
</compile_context>

<pallas_src>
import functools

import jax
import jax.numpy as jnp
from jax import lax
from jax.experimental import pallas as pl
from jax.experimental.pallas import tpu as pltpu
from jax.experimental.pallas import tpu_sc as plsc

_NUM_CORES = 2
_NUM_SUBCORES = 16
_NW = _NUM_CORES * _NUM_SUBCORES
_CHUNK = 128


_NBUF = 7


def _gather_body(cos_hbm, sin_hbm, idx_hbm, cos_out, sin_out,
                 idx_v, bufs, sem_g, sem_o, *, chunks_per_worker, workers_per_b):
    wid = lax.axis_index("s") * _NUM_CORES + lax.axis_index("c")
    b = wid // workers_per_b
    col = (wid % workers_per_b) * chunks_per_worker * _CHUNK
    pltpu.sync_copy(idx_hbm.at[b, pl.ds(col, chunks_per_worker * _CHUNK)], idx_v)

    work = [(cos_hbm, cos_out, j) for j in range(chunks_per_worker)]
    work += [(sin_hbm, sin_out, j) for j in range(chunks_per_worker)]
    nw = len(work)

    def buf(k):
        return bufs.at[k % _NBUF]

    def fire_gather(k):
        tab, _, j = work[k]
        pltpu.async_copy(
            tab.at[0].at[idx_v.at[pl.ds(j * _CHUNK, _CHUNK)]], buf(k), sem_g)

    def drain_one(sem, k):
        pltpu.make_async_copy(cos_hbm.at[0].at[pl.ds(0, _CHUNK)], buf(k),
                              sem).wait()

    for k in range(min(_NBUF, nw)):
        fire_gather(k)
    outs_fired = 0
    for k in range(nw):
        drain_one(sem_g, k)
        _, out, j = work[k]
        pltpu.async_copy(buf(k), out.at[b, pl.ds(col + j * _CHUNK, _CHUNK)],
                         sem_o)
        outs_fired += 1
        nk = k + _NBUF
        if nk < nw:
            drain_one(sem_o, nk)
            outs_fired -= 1
            fire_gather(nk)
    for k in range(outs_fired):
        drain_one(sem_o, k)


def kernel(x, position_ids, cos_cached, sin_cached):
    b, s = position_ids.shape
    dim = cos_cached.shape[-1]
    n = b * s
    assert n % (_NW * _CHUNK) == 0 and _NW % b == 0
    chunks_per_worker = n // (_NW * _CHUNK)
    workers_per_b = _NW // b

    mesh = plsc.VectorSubcoreMesh(core_axis_name="c", subcore_axis_name="s")
    out_t = jax.ShapeDtypeStruct((b, s, dim), jnp.float32)
    run = pl.kernel(
        functools.partial(_gather_body, chunks_per_worker=chunks_per_worker,
                          workers_per_b=workers_per_b),
        out_type=(out_t, out_t),
        mesh=mesh,
        scratch_types=[
            pltpu.VMEM((chunks_per_worker * _CHUNK,), jnp.int32),
            pltpu.VMEM((_NBUF, _CHUNK, dim), jnp.float32),
            pltpu.SemaphoreType.DMA,
            pltpu.SemaphoreType.DMA,
        ],
    )
    cos_o, sin_o = run(cos_cached, sin_cached, position_ids)
    return (cos_o.astype(x.dtype), sin_o.astype(x.dtype))

# --- scband reference (transcript-rebuilt; emitter-appended) ---
"""Pipeline reference for scband-fast-mpsrotary-embedding-70815420776659 (READ-ONLY COPY).

The authoritative reference and input builder live on the scoring server;
editing this copy changes nothing except your own understanding.
"""

import jax, jax.numpy as jnp
import numpy as np

DIM = 128
MAX_POS = 8192
BASE = 10000.0


def _build_caches():
    inv_freq = 1.0 / (BASE ** (jnp.arange(0, DIM, 2, dtype=jnp.float32) / DIM))
    t = jnp.arange(MAX_POS, dtype=jnp.float32)
    freqs = jnp.outer(t, inv_freq)  # [MAX_POS, DIM//2]
    emb = jnp.concatenate([freqs, freqs], axis=-1)  # [MAX_POS, DIM]
    cos_cached = jnp.cos(emb)[None, :, :]  # [1, MAX_POS, DIM]
    sin_cached = jnp.sin(emb)[None, :, :]
    return cos_cached, sin_cached


def setup_inputs(seed: int = 0) -> dict:
    key = jax.random.key(seed)
    k1, k2 = jax.random.split(key)
    x = jax.random.normal(k1, (4, 32, 4096, 128), dtype=jnp.float32)
    position_ids = jax.random.randint(k2, (4, 4096), 0, MAX_POS, dtype=jnp.int32)
    cos_cached, sin_cached = _build_caches()
    return {"x": x, "position_ids": position_ids, "cos_cached": cos_cached, "sin_cached": sin_cached}


def reference(x, position_ids, cos_cached, sin_cached):
    # x is 4D: batch = x.shape[0], seq_len = x.shape[2]; position_ids provided -> gather path
    # Per-batch gather: cos_cached[0, pos_b] for each batch row (vectorized as one take)
    cos = jnp.take(cos_cached[0], position_ids, axis=0)  # [B, S, DIM]
    sin = jnp.take(sin_cached[0], position_ids, axis=0)  # [B, S, DIM]
    cos = cos.astype(x.dtype)
    sin = sin.astype(x.dtype)
    return (cos, sin)

if __name__ == "__main__":
    import jax
    _d = setup_inputs()
    print(jax.jit(kernel)(*tuple(_d.values())))

</pallas_src>

<mosaic_0001>
#map = affine_map<(d0, d1) -> (0, 0, 0)>
#map1 = affine_map<(d0, d1) -> (0, 0)>
module attributes {stable_mosaic.version = 14 : i64} {
  func.func @_gather_body(%arg0: i32, %arg1: i32, %arg2: memref<1x8192x128xf32, #tpu.memory_space<hbm>>, %arg3: memref<1x8192x128xf32, #tpu.memory_space<hbm>>, %arg4: memref<4x4096xi32, #tpu.memory_space<hbm>>, %arg5: memref<4x4096x128xf32, #tpu.memory_space<hbm>>, %arg6: memref<4x4096x128xf32, #tpu.memory_space<hbm>>, %arg7: memref<512xi32, #tpu.memory_space<vmem>>, %arg8: memref<7x128x128xf32, #tpu.memory_space<vmem>>, %arg9: memref<!tpu.dma_semaphore, #tpu.memory_space<semaphore_mem>>, %arg10: memref<!tpu.dma_semaphore, #tpu.memory_space<semaphore_mem>>) attributes {dimension_semantics = [#tpu.dimension_semantics<core_parallel>, #tpu.dimension_semantics<subcore_parallel>], iteration_bounds = array<i64: 2, 16>, scalar_prefetch = 0 : i64, scratch_operands = 4 : i64, tpu.core_type = #tpu.core_type<sc_vector_subcore>, window_params = [{transform_indices = #map}, {transform_indices = #map}, {transform_indices = #map1}, {transform_indices = #map}, {transform_indices = #map}]} {
    %mul3A = arith.constant 2 : i32
    %mul3A_0 = arith.muli %arg1, %mul3A : i32
    %add3A = arith.addi %mul3A_0, %arg0 : i32
    %jit3A = arith.constant 8 : i32
    %div3A = arith.divsi %add3A, %jit3A : i32
    %sign3A = arith.constant 0 : i32
    %sign3A_1 = arith.cmpi sgt, %add3A, %sign3A : i32
    %sign3A_2 = arith.extui %sign3A_1 : i1 to i32
    %sign3A_3 = arith.constant 0 : i32
    %sign3A_4 = arith.cmpi slt, %add3A, %sign3A_3 : i32
    %sign3A_5 = arith.extui %sign3A_4 : i1 to i32
    %sign3A_6 = arith.subi %sign3A_2, %sign3A_5 : i32
    %sign3A_7 = arith.constant 0 : i32
    %sign3A_8 = arith.cmpi sgt, %jit3A, %sign3A_7 : i32
    %sign3A_9 = arith.extui %sign3A_8 : i1 to i32
    %sign3A_10 = arith.constant 0 : i32
    %sign3A_11 = arith.cmpi slt, %jit3A, %sign3A_10 : i32
    %sign3A_12 = arith.extui %sign3A_11 : i1 to i32
    %sign3A_13 = arith.subi %sign3A_9, %sign3A_12 : i32
    %ne3A = arith.cmpi ne, %sign3A_6, %sign3A_13 : i32
    %rem3A = arith.remsi %add3A, %jit3A : i32
    %ne3A_14 = arith.constant 0 : i32
    %ne3A_15 = arith.cmpi ne, %rem3A, %ne3A_14 : i32
    %and3A = arith.andi %ne3A, %ne3A_15 : i1
    %sub3A = arith.constant 1 : i32
    %sub3A_16 = arith.subi %div3A, %sub3A : i32
    %select_n3A = arith.select %and3A, %sub3A_16, %div3A : i32
    %jit3A_17 = arith.constant 8 : i32
    %eq3A = arith.constant 0 : i32
    %eq3A_18 = arith.cmpi eq, %jit3A_17, %eq3A : i32
    %jit3A_19 = arith.constant 1 : i32
    %select_n3A_20 = arith.select %eq3A_18, %jit3A_19, %jit3A_17 : i32
    %rem3A_21 = arith.remsi %add3A, %select_n3A_20 : i32
    %ne3A_22 = arith.constant 0 : i32
    %ne3A_23 = arith.cmpi ne, %rem3A_21, %ne3A_22 : i32
    %lt3A = arith.constant 0 : i32
    %lt3A_24 = arith.cmpi slt, %rem3A_21, %lt3A : i32
    %lt3A_25 = arith.constant 0 : i32
    %lt3A_26 = arith.cmpi slt, %select_n3A_20, %lt3A_25 : i32
    %ne3A_27 = arith.xori %lt3A_24, %lt3A_26 : i1
    %and3A_28 = arith.andi %ne3A_27, %ne3A_23 : i1
    %add3A_29 = arith.addi %rem3A_21, %select_n3A_20 : i32
    %select_n3A_30 = arith.select %and3A_28, %add3A_29, %rem3A_21 : i32
    %mul3A_31 = arith.constant 4 : i32
    %mul3A_32 = arith.muli %select_n3A_30, %mul3A_31 : i32
    %mul3A_33 = arith.constant 128 : i32
    %mul3A_34 = arith.muli %mul3A_32, %mul3A_33 : i32
    "tpu.region"() ({
      %run_scoped3A = tpu.sem_alloc : memref<!tpu.dma_semaphore, #tpu.memory_space<semaphore_mem>>
      %dma_start3A_673 = tpu.memref_slice %arg4[%select_n3A, %mul3A_34] : memref<4x4096xi32, #tpu.memory_space<hbm>> -> memref<1x512xi32, #tpu.memory_space<hbm>>
      %dma_start3A_674 = tpu.memref_squeeze %dma_start3A_673 : memref<1x512xi32, #tpu.memory_space<hbm>> -> memref<512xi32, #tpu.memory_space<hbm>>
      %dma_start3A_675 = tpu.memref_slice %arg4[%select_n3A, %mul3A_34] : memref<4x4096xi32, #tpu.memory_space<hbm>> -> memref<1x512xi32, #tpu.memory_space<hbm>>
      %dma_start3A_676 = tpu.memref_squeeze %dma_start3A_675 : memref<1x512xi32, #tpu.memory_space<hbm>> -> memref<512xi32, #tpu.memory_space<hbm>>
      tpu.enqueue_dma source(%dma_start3A_676 : memref<512xi32, #tpu.memory_space<hbm>>) target(%arg7 : memref<512xi32, #tpu.memory_space<vmem>>) target_semaphore(%run_scoped3A : memref<!tpu.dma_semaphore, #tpu.memory_space<semaphore_mem>>)
      %dma_wait3A_677 = tpu.memref_slice %arg4[%select_n3A, %mul3A_34] : memref<4x4096xi32, #tpu.memory_space<hbm>> -> memref<1x512xi32, #tpu.memory_space<hbm>>
      %dma_wait3A_678 = tpu.memref_squeeze %dma_wait3A_677 : memref<1x512xi32, #tpu.memory_space<hbm>> -> memref<512xi32, #tpu.memory_space<hbm>>
      %dma_wait3A_679 = tpu.memref_slice %arg4[%select_n3A, %mul3A_34] : memref<4x4096xi32, #tpu.memory_space<hbm>> -> memref<1x512xi32, #tpu.memory_space<hbm>>
      %dma_wait3A_680 = tpu.memref_squeeze %dma_wait3A_679 : memref<1x512xi32, #tpu.memory_space<hbm>> -> memref<512xi32, #tpu.memory_space<hbm>>
      tpu.wait_dma2 semaphore(%run_scoped3A : memref<!tpu.dma_semaphore, #tpu.memory_space<semaphore_mem>>) src(%dma_wait3A_680 : memref<512xi32, #tpu.memory_space<hbm>>) dst(%arg7 : memref<512xi32, #tpu.memory_space<vmem>>)
      tpu.yield
    }) : () -> ()
    %dma_start3A = arith.constant 0 : i32
    %dma_start3A_35 = arith.constant 0 : i32
    %dma_start3A_36 = arith.constant 0 : i32
    %dma_start3A_37 = arith.constant 0 : i32
    %dma_start3A_38 = tpu.memref_slice %arg8[%dma_start3A_35, %dma_start3A_36, %dma_start3A_37] : memref<7x128x128xf32, #tpu.memory_space<vmem>> -> memref<1x128x128xf32, #tpu.memory_space<vmem>>
    %dma_start3A_39 = tpu.memref_squeeze %dma_start3A_38 : memref<1x128x128xf32, #tpu.memory_space<vmem>> -> memref<128x128xf32, #tpu.memory_space<vmem>>
    %dma_start3A_40 = arith.constant 0 : i32
    %dma_start3A_41 = tpu.memref_slice %arg7[%dma_start3A_40] : memref<512xi32, #tpu.memory_space<vmem>> -> memref<128xi32, #tpu.memory_space<vmem>>
    %dma_start3A_42 = arith.constant 0 : i32
    %dma_start3A_43 = arith.constant 0 : i32
    %dma_start3A_44 = tpu.memref_slice %arg2[%dma_start3A, %dma_start3A_42, %dma_start3A_43] : memref<1x8192x128xf32, #tpu.memory_space<hbm>> -> memref<1x8192x128xf32, #tpu.memory_space<hbm>>
    %dma_start3A_45 = tpu.memref_squeeze %dma_start3A_44 : memref<1x8192x128xf32, #tpu.memory_space<hbm>> -> memref<8192x128xf32, #tpu.memory_space<hbm>>
    %dma_start3A_46 = arith.constant 0 : i32
    %dma_start3A_47 = arith.constant 0 : i32
    %dma_start3A_48 = tpu.memref_slice %dma_start3A_45[%dma_start3A_46, %dma_start3A_47] : memref<8192x128xf32, #tpu.memory_space<hbm>> -> memref<8192x128xf32, #tpu.memory_space<hbm>>
    tpu.enqueue_indirect_dma source(%dma_start3A_48 : memref<8192x128xf32, #tpu.memory_space<hbm>>) target(%dma_start3A_39 : memref<128x128xf32, #tpu.memory_space<vmem>>) offsets(%dma_start3A_41 : memref<128xi32, #tpu.memory_space<vmem>>) semaphore(%arg9 : memref<!tpu.dma_semaphore, #tpu.memory_space<semaphore_mem>>)
    %dma_start3A_49 = arith.constant 0 : i32
    %dma_start3A_50 = arith.constant 1 : i32
    %dma_start3A_51 = arith.constant 0 : i32
    %dma_start3A_52 = arith.constant 0 : i32
    %dma_start3A_53 = tpu.memref_slice %arg8[%dma_start3A_50, %dma_start3A_51, %dma_start3A_52] : memref<7x128x128xf32, #tpu.memory_space<vmem>> -> memref<1x128x128xf32, #tpu.memory_space<vmem>>
    %dma_start3A_54 = tpu.memref_squeeze %dma_start3A_53 : memref<1x128x128xf32, #tpu.memory_space<vmem>> -> memref<128x128xf32, #tpu.memory_space<vmem>>
    %dma_start3A_55 = arith.constant 128 : i32
    %dma_start3A_56 = tpu.memref_slice %arg7[%dma_start3A_55] : memref<512xi32, #tpu.memory_space<vmem>> -> memref<128xi32, #tpu.memory_space<vmem>>
    %dma_start3A_57 = arith.constant 0 : i32
    %dma_start3A_58 = arith.constant 0 : i32
    %dma_start3A_59 = tpu.memref_slice %arg2[%dma_start3A_49, %dma_start3A_57, %dma_start3A_58] : memref<1x8192x128xf32, #tpu.memory_space<hbm>> -> memref<1x8192x128xf32, #tpu.memory_space<hbm>>
    %dma_start3A_60 = tpu.memref_squeeze %dma_start3A_59 : memref<1x8192x128xf32, #tpu.memory_space<hbm>> -> memref<8192x128xf32, #tpu.memory_space<hbm>>
    %dma_start3A_61 = arith.constant 0 : i32
    %dma_start3A_62 = arith.constant 0 : i32
    %dma_start3A_63 = tpu.memref_slice %dma_start3A_60[%dma_start3A_61, %dma_start3A_62] : memref<8192x128xf32, #tpu.memory_space<hbm>> -> memref<8192x128xf32, #tpu.memory_space<hbm>>
    tpu.enqueue_indirect_dma source(%dma_start3A_63 : memref<8192x128xf32, #tpu.memory_space<hbm>>) target(%dma_start3A_54 : memref<128x128xf32, #tpu.memory_space<vmem>>) offsets(%dma_start3A_56 : memref<128xi32, #tpu.memory_space<vmem>>) semaphore(%arg9 : memref<!tpu.dma_semaphore, #tpu.memory_space<semaphore_mem>>)
    %dma_start3A_64 = arith.constant 0 : i32
    %dma_start3A_65 = arith.constant 2 : i32
    %dma_start3A_66 = arith.constant 0 : i32
    %dma_start3A_67 = arith.constant 0 : i32
    %dma_start3A_68 = tpu.memref_slice %arg8[%dma_start3A_65, %dma_start3A_66, %dma_start3A_67] : memref<7x128x128xf32, #tpu.memory_space<vmem>> -> memref<1x128x128xf32, #tpu.memory_space<vmem>>
    %dma_start3A_69 = tpu.memref_squeeze %dma_start3A_68 : memref<1x128x128xf32, #tpu.memory_space<vmem>> -> memref<128x128xf32, #tpu.memory_space<vmem>>
    %dma_start3A_70 = arith.constant 256 : i32
    %dma_start3A_71 = tpu.memref_slice %arg7[%dma_start3A_70] : memref<512xi32, #tpu.memory_space<vmem>> -> memref<128xi32, #tpu.memory_space<vmem>>
    %dma_start3A_72 = arith.constant 0 : i32
    %dma_start3A_73 = arith.constant 0 : i32
    %dma_start3A_74 = tpu.memref_slice %arg2[%dma_start3A_64, %dma_start3A_72, %dma_start3A_73] : memref<1x8192x128xf32, #tpu.memory_space<hbm>> -> memref<1x8192x128xf32, #tpu.memory_space<hbm>>
    %dma_start3A_75 = tpu.memref_squeeze %dma_start3A_74 : memref<1x8192x128xf32, #tpu.memory_space<hbm>> -> memref<8192x128xf32, #tpu.memory_space<hbm>>
    %dma_start3A_76 = arith.constant 0 : i32
    %dma_start3A_77 = arith.constant 0 : i32
    %dma_start3A_78 = tpu.memref_slice %dma_start3A_75[%dma_start3A_76, %dma_start3A_77] : memref<8192x128xf32, #tpu.memory_space<hbm>> -> memref<8192x128xf32, #tpu.memory_space<hbm>>
    tpu.enqueue_indirect_dma source(%dma_start3A_78 : memref<8192x128xf32, #tpu.memory_space<hbm>>) target(%dma_start3A_69 : memref<128x128xf32, #tpu.memory_space<vmem>>) offsets(%dma_start3A_71 : memref<128xi32, #tpu.memory_space<vmem>>) semaphore(%arg9 : memref<!tpu.dma_semaphore, #tpu.memory_space<semaphore_mem>>)
    %dma_start3A_79 = arith.constant 0 : i32
    %dma_start3A_80 = arith.constant 3 : i32
    %dma_start3A_81 = arith.constant 0 : i32
    %dma_start3A_82 = arith.constant 0 : i32
    %dma_start3A_83 = tpu.memref_slice %arg8[%dma_start3A_80, %dma_start3A_81, %dma_start3A_82] : memref<7x128x128xf32, #tpu.memory_space<vmem>> -> memref<1x128x128xf32, #tpu.memory_space<vmem>>
    %dma_start3A_84 = tpu.memref_squeeze %dma_start3A_83 : memref<1x128x128xf32, #tpu.memory_space<vmem>> -> memref<128x128xf32, #tpu.memory_space<vmem>>
    %dma_start3A_85 = arith.constant 384 : i32
    %dma_start3A_86 = tpu.memref_slice %arg7[%dma_start3A_85] : memref<512xi32, #tpu.memory_space<vmem>> -> memref<128xi32, #tpu.memory_space<vmem>>
    %dma_start3A_87 = arith.constant 0 : i32
    %dma_start3A_88 = arith.constant 0 : i32
    %dma_start3A_89 = tpu.memref_slice %arg2[%dma_start3A_79, %dma_start3A_87, %dma_start3A_88] : memref<1x8192x128xf32, #tpu.memory_space<hbm>> -> memref<1x8192x128xf32, #tpu.memory_space<hbm>>
    %dma_start3A_90 = tpu.memref_squeeze %dma_start3A_89 : memref<1x8192x128xf32, #tpu.memory_space<hbm>> -> memref<8192x128xf32, #tpu.memory_space<hbm>>
    %dma_start3A_91 = arith.constant 0 : i32
    %dma_start3A_92 = arith.constant 0 : i32
    %dma_start3A_93 = tpu.memref_slice %dma_start3A_90[%dma_start3A_91, %dma_start3A_92] : memref<8192x128xf32, #tpu.memory_space<hbm>> -> memref<8192x128xf32, #tpu.memory_space<hbm>>
    tpu.enqueue_indirect_dma source(%dma_start3A_93 : memref<8192x128xf32, #tpu.memory_space<hbm>>) target(%dma_start3A_84 : memref<128x128xf32, #tpu.memory_space<vmem>>) offsets(%dma_start3A_86 : memref<128xi32, #tpu.memory_space<vmem>>) semaphore(%arg9 : memref<!tpu.dma_semaphore, #tpu.memory_space<semaphore_mem>>)
    %dma_start3A_94 = arith.constant 0 : i32
    %dma_start3A_95 = arith.constant 4 : i32
    %dma_start3A_96 = arith.constant 0 : i32
    %dma_start3A_97 = arith.constant 0 : i32
    %dma_start3A_98 = tpu.memref_slice %arg8[%dma_start3A_95, %dma_start3A_96, %dma_start3A_97] : memref<7x128x128xf32, #tpu.memory_space<vmem>> -> memref<1x128x128xf32, #tpu.memory_space<vmem>>
    %dma_start3A_99 = tpu.memref_squeeze %dma_start3A_98 : memref<1x128x128xf32, #tpu.memory_space<vmem>> -> memref<128x128xf32, #tpu.memory_space<vmem>>
    %dma_start3A_100 = arith.constant 0 : i32
    %dma_start3A_101 = tpu.memref_slice %arg7[%dma_start3A_100] : memref<512xi32, #tpu.memory_space<vmem>> -> memref<128xi32, #tpu.memory_space<vmem>>
    %dma_start3A_102 = arith.constant 0 : i32
    %dma_start3A_103 = arith.constant 0 : i32
    %dma_start3A_104 = tpu.memref_slice %arg3[%dma_start3A_94, %dma_start3A_102, %dma_start3A_103] : memref<1x8192x128xf32, #tpu.memory_space<hbm>> -> memref<1x8192x128xf32, #tpu.memory_space<hbm>>
    %dma_start3A_105 = tpu.memref_squeeze %dma_start3A_104 : memref<1x8192x128xf32, #tpu.memory_space<hbm>> -> memref<8192x128xf32, #tpu.memory_space<hbm>>
    %dma_start3A_106 = arith.constant 0 : i32
    %dma_start3A_107 = arith.constant 0 : i32
    %dma_start3A_108 = tpu.memref_slice %dma_start3A_105[%dma_start3A_106, %dma_start3A_107] : memref<8192x128xf32, #tpu.memory_space<hbm>> -> memref<8192x128xf32, #tpu.memory_space<hbm>>
    tpu.enqueue_indirect_dma source(%dma_start3A_108 : memref<8192x128xf32, #tpu.memory_space<hbm>>) target(%dma_start3A_99 : memref<128x128xf32, #tpu.memory_space<vmem>>) offsets(%dma_start3A_101 : memref<128xi32, #tpu.memory_space<vmem>>) semaphore(%arg9 : memref<!tpu.dma_semaphore, #tpu.memory_space<semaphore_mem>>)
    %dma_start3A_109 = arith.constant 0 : i32
    %dma_start3A_110 = arith.constant 5 : i32
    %dma_start3A_111 = arith.constant 0 : i32
    %dma_start3A_112 = arith.constant 0 : i32
    %dma_start3A_113 = tpu.memref_slice %arg8[%dma_start3A_110, %dma_start3A_111, %dma_start3A_112] : memref<7x128x128xf32, #tpu.memory_space<vmem>> -> memref<1x128x128xf32, #tpu.memory_space<vmem>>
    %dma_start3A_114 = tpu.memref_squeeze %dma_start3A_113 : memref<1x128x128xf32, #tpu.memory_space<vmem>> -> memref<128x128xf32, #tpu.memory_space<vmem>>
    %dma_start3A_115 = arith.constant 128 : i32
    %dma_start3A_116 = tpu.memref_slice %arg7[%dma_start3A_115] : memref<512xi32, #tpu.memory_space<vmem>> -> memref<128xi32, #tpu.memory_space<vmem>>
    %dma_start3A_117 = arith.constant 0 : i32
    %dma_start3A_118 = arith.constant 0 : i32
    %dma_start3A_119 = tpu.memref_slice %arg3[%dma_start3A_109, %dma_start3A_117, %dma_start3A_118] : memref<1x8192x128xf32, #tpu.memory_space<hbm>> -> memref<1x8192x128xf32, #tpu.memory_space<hbm>>
    %dma_start3A_120 = tpu.memref_squeeze %dma_start3A_119 : memref<1x8192x128xf32, #tpu.memory_space<hbm>> -> memref<8192x128xf32, #tpu.memory_space<hbm>>
    %dma_start3A_121 = arith.constant 0 : i32
    %dma_start3A_122 = arith.constant 0 : i32
    %dma_start3A_123 = tpu.memref_slice %dma_start3A_120[%dma_start3A_121, %dma_start3A_122] : memref<8192x128xf32, #tpu.memory_space<hbm>> -> memref<8192x128xf32, #tpu.memory_space<hbm>>
    tpu.enqueue_indirect_dma source(%dma_start3A_123 : memref<8192x128xf32, #tpu.memory_space<hbm>>) target(%dma_start3A_114 : memref<128x128xf32, #tpu.memory_space<vmem>>) offsets(%dma_start3A_116 : memref<128xi32, #tpu.memory_space<vmem>>) semaphore(%arg9 : memref<!tpu.dma_semaphore, #tpu.memory_space<semaphore_mem>>)
    %dma_start3A_124 = arith.constant 0 : i32
    %dma_start3A_125 = arith.constant 6 : i32
    %dma_start3A_126 = arith.constant 0 : i32
    %dma_start3A_127 = arith.constant 0 : i32
    %dma_start3A_128 = tpu.memref_slice %arg8[%dma_start3A_125, %dma_start3A_126, %dma_start3A_127] : memref<7x128x128xf32, #tpu.memory_space<vmem>> -> memref<1x128x128xf32, #tpu.memory_space<vmem>>
    %dma_start3A_129 = tpu.memref_squeeze %dma_start3A_128 : memref<1x128x128xf32, #tpu.memory_space<vmem>> -> memref<128x128xf32, #tpu.memory_space<vmem>>
    %dma_start3A_130 = arith.constant 256 : i32
    %dma_start3A_131 = tpu.memref_slice %arg7[%dma_start3A_130] : memref<512xi32, #tpu.memory_space<vmem>> -> memref<128xi32, #tpu.memory_space<vmem>>
    %dma_start3A_132 = arith.constant 0 : i32
    %dma_start3A_133 = arith.constant 0 : i32
    %dma_start3A_134 = tpu.memref_slice %arg3[%dma_start3A_124, %dma_start3A_132, %dma_start3A_133] : memref<1x8192x128xf32, #tpu.memory_space<hbm>> -> memref<1x8192x128xf32, #tpu.memory_space<hbm>>
    %dma_start3A_135 = tpu.memref_squeeze %dma_start3A_134 : memref<1x8192x128xf32, #tpu.memory_space<hbm>> -> memref<8192x128xf32, #tpu.memory_space<hbm>>
    %dma_start3A_136 = arith.constant 0 : i32
    %dma_start3A_137 = arith.constant 0 : i32
    %dma_start3A_138 = tpu.memref_slice %dma_start3A_135[%dma_start3A_136, %dma_start3A_137] : memref<8192x128xf32, #tpu.memory_space<hbm>> -> memref<8192x128xf32, #tpu.memory_space<hbm>>
    tpu.enqueue_indirect_dma source(%dma_start3A_138 : memref<8192x128xf32, #tpu.memory_space<hbm>>) target(%dma_start3A_129 : memref<128x128xf32, #tpu.memory_space<vmem>>) offsets(%dma_start3A_131 : memref<128xi32, #tpu.memory_space<vmem>>) semaphore(%arg9 : memref<!tpu.dma_semaphore, #tpu.memory_space<semaphore_mem>>)
    %dma_wait3A = arith.constant 0 : i32
    %dma_wait3A_139 = arith.constant 0 : i32
    %dma_wait3A_140 = arith.constant 0 : i32
    %dma_wait3A_141 = arith.constant 0 : i32
    %dma_wait3A_142 = tpu.memref_slice %arg8[%dma_wait3A_139, %dma_wait3A_140, %dma_wait3A_141] : memref<7x128x128xf32, #tpu.memory_space<vmem>> -> memref<1x128x128xf32, #tpu.memory_space<vmem>>
    %dma_wait3A_143 = tpu.memref_squeeze %dma_wait3A_142 : memref<1x128x128xf32, #tpu.memory_space<vmem>> -> memref<128x128xf32, #tpu.memory_space<vmem>>
    %dma_wait3A_144 = arith.constant 0 : i32
    %dma_wait3A_145 = arith.constant 0 : i32
    %dma_wait3A_146 = tpu.memref_slice %arg2[%dma_wait3A, %dma_wait3A_144, %dma_wait3A_145] : memref<1x8192x128xf32, #tpu.memory_space<hbm>> -> memref<1x8192x128xf32, #tpu.memory_space<hbm>>
    %dma_wait3A_147 = tpu.memref_squeeze %dma_wait3A_146 : memref<1x8192x128xf32, #tpu.memory_space<hbm>> -> memref<8192x128xf32, #tpu.memory_space<hbm>>
    %dma_wait3A_148 = arith.constant 0 : i32
    %dma_wait3A_149 = arith.constant 0 : i32
    %dma_wait3A_150 = tpu.memref_slice %dma_wait3A_147[%dma_wait3A_148, %dma_wait3A_149] : memref<8192x128xf32, #tpu.memory_space<hbm>> -> memref<128x128xf32, #tpu.memory_space<hbm>>
    %dma_wait3A_151 = arith.constant 0 : i32
    %dma_wait3A_152 = arith.constant 0 : i32
    %dma_wait3A_153 = tpu.memref_slice %arg8[%dma_wait3A_139, %dma_wait3A_151, %dma_wait3A_152] : memref<7x128x128xf32, #tpu.memory_space<vmem>> -> memref<1x128x128xf32, #tpu.memory_space<vmem>>
    %dma_wait3A_154 = tpu.memref_squeeze %dma_wait3A_153 : memref<1x128x128xf32, #tpu.memory_space<vmem>> -> memref<128x128xf32, #tpu.memory_space<vmem>>
    %dma_wait3A_155 = arith.constant 0 : i32
    %dma_wait3A_156 = arith.constant 0 : i32
    %dma_wait3A_157 = tpu.memref_slice %arg2[%dma_wait3A, %dma_wait3A_155, %dma_wait3A_156] : memref<1x8192x128xf32, #tpu.memory_space<hbm>> -> memref<1x8192x128xf32, #tpu.memory_space<hbm>>
    %dma_wait3A_158 = tpu.memref_squeeze %dma_wait3A_157 : memref<1x8192x128xf32, #tpu.memory_space<hbm>> -> memref<8192x128xf32, #tpu.memory_space<hbm>>
    %dma_wait3A_159 = arith.constant 0 : i32
    %dma_wait3A_160 = arith.constant 0 : i32
    %dma_wait3A_161 = tpu.memref_slice %dma_wait3A_158[%dma_wait3A_159, %dma_wait3A_160] : memref<8192x128xf32, #tpu.memory_space<hbm>> -> memref<128x128xf32, #tpu.memory_space<hbm>>
    tpu.wait_dma2 semaphore(%arg9 : memref<!tpu.dma_semaphore, #tpu.memory_space<semaphore_mem>>) src(%dma_wait3A_161 : memref<128x128xf32, #tpu.memory_space<hbm>>) dst(%dma_wait3A_154 : memref<128x128xf32, #tpu.memory_space<vmem>>)
    %add3A_162 = arith.constant 0 : i32
    %add3A_163 = arith.addi %mul3A_34, %add3A_162 : i32
    %dma_start3A_164 = arith.constant 0 : i32
    %dma_start3A_165 = arith.constant 0 : i32
    %dma_start3A_166 = arith.constant 0 : i32
    %dma_start3A_167 = tpu.memref_slice %arg8[%dma_start3A_164, %dma_start3A_165, %dma_start3A_166] : memref<7x128x128xf32, #tpu.memory_space<vmem>> -> memref<1x128x128xf32, #tpu.memory_space<vmem>>
    %dma_start3A_168 = tpu.memref_squeeze %dma_start3A_167 : memref<1x128x128xf32, #tpu.memory_space<vmem>> -> memref<128x128xf32, #tpu.memory_space<vmem>>
    %dma_start3A_169 = arith.constant 0 : i32
    %dma_start3A_170 = tpu.memref_slice %arg5[%select_n3A, %add3A_163, %dma_start3A_169] : memref<4x4096x128xf32, #tpu.memory_space<hbm>> -> memref<1x128x128xf32, #tpu.memory_space<hbm>>
    %dma_start3A_171 = tpu.memref_squeeze %dma_start3A_170 : memref<1x128x128xf32, #tpu.memory_space<hbm>> -> memref<128x128xf32, #tpu.memory_space<hbm>>
    %dma_start3A_172 = arith.constant 0 : i32
    %dma_start3A_173 = tpu.memref_slice %arg5[%select_n3A, %add3A_163, %dma_start3A_172] : memref<4x4096x128xf32, #tpu.memory_space<hbm>> -> memref<1x128x128xf32, #tpu.memory_space<hbm>>
    %dma_start3A_174 = tpu.memref_squeeze %dma_start3A_173 : memref<1x128x128xf32, #tpu.memory_space<hbm>> -> memref<128x128xf32, #tpu.memory_space<hbm>>
    %dma_start3A_175 = arith.constant 0 : i32
    %dma_start3A_176 = arith.constant 0 : i32
    %dma_start3A_177 = tpu.memref_slice %arg8[%dma_start3A_164, %dma_start3A_175, %dma_start3A_176] : memref<7x128x128xf32, #tpu.memory_space<vmem>> -> memref<1x128x128xf32, #tpu.memory_space<vmem>>
    %dma_start3A_178 = tpu.memref_squeeze %dma_start3A_177 : memref<1x128x128xf32, #tpu.memory_space<vmem>> -> memref<128x128xf32, #tpu.memory_space<vmem>>
    tpu.enqueue_dma source(%dma_start3A_178 : memref<128x128xf32, #tpu.memory_space<vmem>>) target(%dma_start3A_174 : memref<128x128xf32, #tpu.memory_space<hbm>>) target_semaphore(%arg10 : memref<!tpu.dma_semaphore, #tpu.memory_space<semaphore_mem>>)
    %dma_wait3A_179 = arith.constant 0 : i32
    %dma_wait3A_180 = arith.constant 0 : i32
    %dma_wait3A_181 = arith.constant 0 : i32
    %dma_wait3A_182 = arith.constant 0 : i32
    %dma_wait3A_183 = tpu.memref_slice %arg8[%dma_wait3A_180, %dma_wait3A_181, %dma_wait3A_182] : memref<7x128x128xf32, #tpu.memory_space<vmem>> -> memref<1x128x128xf32, #tpu.memory_space<vmem>>
    %dma_wait3A_184 = tpu.memref_squeeze %dma_wait3A_183 : memref<1x128x128xf32, #tpu.memory_space<vmem>> -> memref<128x128xf32, #tpu.memory_space<vmem>>
    %dma_wait3A_185 = arith.constant 0 : i32
    %dma_wait3A_186 = arith.constant 0 : i32
    %dma_wait3A_187 = tpu.memref_slice %arg2[%dma_wait3A_179, %dma_wait3A_185, %dma_wait3A_186] : memref<1x8192x128xf32, #tpu.memory_space<hbm>> -> memref<1x8192x128xf32, #tpu.memory_space<hbm>>
    %dma_wait3A_188 = tpu.memref_squeeze %dma_wait3A_187 : memref<1x8192x128xf32, #tpu.memory_space<hbm>> -> memref<8192x128xf32, #tpu.memory_space<hbm>>
    %dma_wait3A_189 = arith.constant 0 : i32
    %dma_wait3A_190 = arith.constant 0 : i32
    %dma_wait3A_191 = tpu.memref_slice %dma_wait3A_188[%dma_wait3A_189, %dma_wait3A_190] : memref<8192x128xf32, #tpu.memory_space<hbm>> -> memref<128x128xf32, #tpu.memory_space<hbm>>
    %dma_wait3A_192 = arith.constant 0 : i32
    %dma_wait3A_193 = arith.constant 0 : i32
    %dma_wait3A_194 = tpu.memref_slice %arg8[%dma_wait3A_180, %dma_wait3A_192, %dma_wait3A_193] : memref<7x128x128xf32, #tpu.memory_space<vmem>> -> memref<1x128x128xf32, #tpu.memory_space<vmem>>
    %dma_wait3A_195 = tpu.memref_squeeze %dma_wait3A_194 : memref<1x128x128xf32, #tpu.memory_space<vmem>> -> memref<128x128xf32, #tpu.memory_space<vmem>>
    %dma_wait3A_196 = arith.constant 0 : i32
    %dma_wait3A_197 = arith.constant 0 : i32
    %dma_wait3A_198 = tpu.memref_slice %arg2[%dma_wait3A_179, %dma_wait3A_196, %dma_wait3A_197] : memref<1x8192x128xf32, #tpu.memory_space<hbm>> -> memref<1x8192x128xf32, #tpu.memory_space<hbm>>
    %dma_wait3A_199 = tpu.memref_squeeze %dma_wait3A_198 : memref<1x8192x128xf32, #tpu.memory_space<hbm>> -> memref<8192x128xf32, #tpu.memory_space<hbm>>
    %dma_wait3A_200 = arith.constant 0 : i32
    %dma_wait3A_201 = arith.constant 0 : i32
    %dma_wait3A_202 = tpu.memref_slice %dma_wait3A_199[%dma_wait3A_200, %dma_wait3A_201] : memref<8192x128xf32, #tpu.memory_space<hbm>> -> memref<128x128xf32, #tpu.memory_space<hbm>>
    tpu.wait_dma2 semaphore(%arg10 : memref<!tpu.dma_semaphore, #tpu.memory_space<semaphore_mem>>) src(%dma_wait3A_202 : memref<128x128xf32, #tpu.memory_space<hbm>>) dst(%dma_wait3A_195 : memref<128x128xf32, #tpu.memory_space<vmem>>)
    %dma_start3A_203 = arith.constant 0 : i32
    %dma_start3A_204 = arith.constant 0 : i32
    %dma_start3A_205 = arith.constant 0 : i32
    %dma_start3A_206 = arith.constant 0 : i32
    %dma_start3A_207 = tpu.memref_slice %arg8[%dma_start3A_204, %dma_start3A_205, %dma_start3A_206] : memref<7x128x128xf32, #tpu.memory_space<vmem>> -> memref<1x128x128xf32, #tpu.memory_space<vmem>>
    %dma_start3A_208 = tpu.memref_squeeze %dma_start3A_207 : memref<1x128x128xf32, #tpu.memory_space<vmem>> -> memref<128x128xf32, #tpu.memory_space<vmem>>
    %dma_start3A_209 = arith.constant 384 : i32
    %dma_start3A_210 = tpu.memref_slice %arg7[%dma_start3A_209] : memref<512xi32, #tpu.memory_space<vmem>> -> memref<128xi32, #tpu.memory_space<vmem>>
    %dma_start3A_211 = arith.constant 0 : i32
    %dma_start3A_212 = arith.constant 0 : i32
    %dma_start3A_213 = tpu.memref_slice %arg3[%dma_start3A_203, %dma_start3A_211, %dma_start3A_212] : memref<1x8192x128xf32, #tpu.memory_space<hbm>> -> memref<1x8192x128xf32, #tpu.memory_space<hbm>>
    %dma_start3A_214 = tpu.memref_squeeze %dma_start3A_213 : memref<1x8192x128xf32, #tpu.memory_space<hbm>> -> memref<8192x128xf32, #tpu.memory_space<hbm>>
    %dma_start3A_215 = arith.constant 0 : i32
    %dma_start3A_216 = arith.constant 0 : i32
    %dma_start3A_217 = tpu.memref_slice %dma_start3A_214[%dma_start3A_215, %dma_start3A_216] : memref<8192x128xf32, #tpu.memory_space<hbm>> -> memref<8192x128xf32, #tpu.memory_space<hbm>>
    tpu.enqueue_indirect_dma source(%dma_start3A_217 : memref<8192x128xf32, #tpu.memory_space<hbm>>) target(%dma_start3A_208 : memref<128x128xf32, #tpu.memory_space<vmem>>) offsets(%dma_start3A_210 : memref<128xi32, #tpu.memory_space<vmem>>) semaphore(%arg9 : memref<!tpu.dma_semaphore, #tpu.memory_space<semaphore_mem>>)
    %dma_wait3A_218 = arith.constant 0 : i32
    %dma_wait3A_219 = arith.constant 1 : i32
    %dma_wait3A_220 = arith.constant 0 : i32
    %dma_wait3A_221 = arith.constant 0 : i32
    %dma_wait3A_222 = tpu.memref_slice %arg8[%dma_wait3A_219, %dma_wait3A_220, %dma_wait3A_221] : memref<7x128x128xf32, #tpu.memory_space<vmem>> -> memref<1x128x128xf32, #tpu.memory_space<vmem>>
    %dma_wait3A_223 = tpu.memref_squeeze %dma_wait3A_222 : memref<1x128x128xf32, #tpu.memory_space<vmem>> -> memref<128x128xf32, #tpu.memory_space<vmem>>
    %dma_wait3A_224 = arith.constant 0 : i32
    %dma_wait3A_225 = arith.constant 0 : i32
    %dma_wait3A_226 = tpu.memref_slice %arg2[%dma_wait3A_218, %dma_wait3A_224, %dma_wait3A_225] : memref<1x8192x128xf32, #tpu.memory_space<hbm>> -> memref<1x8192x128xf32, #tpu.memory_space<hbm>>
    %dma_wait3A_227 = tpu.memref_squeeze %dma_wait3A_226 : memref<1x8192x128xf32, #tpu.memory_space<hbm>> -> memref<8192x128xf32, #tpu.memory_space<hbm>>
    %dma_wait3A_228 = arith.constant 0 : i32
    %dma_wait3A_229 = arith.constant 0 : i32
    %dma_wait3A_230 = tpu.memref_slice %dma_wait3A_227[%dma_wait3A_228, %dma_wait3A_229] : memref<8192x128xf32, #tpu.memory_space<hbm>> -> memref<128x128xf32, #tpu.memory_space<hbm>>
    %dma_wait3A_231 = arith.constant 0 : i32
    %dma_wait3A_232 = arith.constant 0 : i32
    %dma_wait3A_233 = tpu.memref_slice %arg8[%dma_wait3A_219, %dma_wait3A_231, %dma_wait3A_232] : memref<7x128x128xf32, #tpu.memory_space<vmem>> -> memref<1x128x128xf32, #tpu.memory_space<vmem>>
    %dma_wait3A_234 = tpu.memref_squeeze %dma_wait3A_233 : memref<1x128x128xf32, #tpu.memory_space<vmem>> -> memref<128x128xf32, #tpu.memory_space<vmem>>
    %dma_wait3A_235 = arith.constant 0 : i32
    %dma_wait3A_236 = arith.constant 0 : i32
    %dma_wait3A_237 = tpu.memref_slice %arg2[%dma_wait3A_218, %dma_wait3A_235, %dma_wait3A_236] : memref<1x8192x128xf32, #tpu.memory_space<hbm>> -> memref<1x8192x128xf32, #tpu.memory_space<hbm>>
    %dma_wait3A_238 = tpu.memref_squeeze %dma_wait3A_237 : memref<1x8192x128xf32, #tpu.memory_space<hbm>> -> memref<8192x128xf32, #tpu.memory_space<hbm>>
    %dma_wait3A_239 = arith.constant 0 : i32
    %dma_wait3A_240 = arith.constant 0 : i32
    %dma_wait3A_241 = tpu.memref_slice %dma_wait3A_238[%dma_wait3A_239, %dma_wait3A_240] : memref<8192x128xf32, #tpu.memory_space<hbm>> -> memref<128x128xf32, #tpu.memory_space<hbm>>
    tpu.wait_dma2 semaphore(%arg9 : memref<!tpu.dma_semaphore, #tpu.memory_space<semaphore_mem>>) src(%dma_wait3A_241 : memref<128x128xf32, #tpu.memory_space<hbm>>) dst(%dma_wait3A_234 : memref<128x128xf32, #tpu.memory_space<vmem>>)
    %add3A_242 = arith.constant 128 : i32
    %add3A_243 = arith.addi %mul3A_34, %add3A_242 : i32
    %dma_start3A_244 = arith.constant 1 : i32
    %dma_start3A_245 = arith.constant 0 : i32
    %dma_start3A_246 = arith.constant 0 : i32
    %dma_start3A_247 = tpu.memref_slice %arg8[%dma_start3A_244, %dma_start3A_245, %dma_start3A_246] : memref<7x128x128xf32, #tpu.memory_space<vmem>> -> memref<1x128x128xf32, #tpu.memory_space<vmem>>
    %dma_start3A_248 = tpu.memref_squeeze %dma_start3A_247 : memref<1x128x128xf32, #tpu.memory_space<vmem>> -> memref<128x128xf32, #tpu.memory_space<vmem>>
    %dma_start3A_249 = arith.constant 0 : i32
    %dma_start3A_250 = tpu.memref_slice %arg5[%select_n3A, %add3A_243, %dma_start3A_249] : memref<4x4096x128xf32, #tpu.memory_space<hbm>> -> memref<1x128x128xf32, #tpu.memory_space<hbm>>
    %dma_start3A_251 = tpu.memref_squeeze %dma_start3A_250 : memref<1x128x128xf32, #tpu.memory_space<hbm>> -> memref<128x128xf32, #tpu.memory_space<hbm>>
    %dma_start3A_252 = arith.constant 0 : i32
    %dma_start3A_253 = tpu.memref_slice %arg5[%select_n3A, %add3A_243, %dma_start3A_252] : memref<4x4096x128xf32, #tpu.memory_space<hbm>> -> memref<1x128x128xf32, #tpu.memory_space<hbm>>
    %dma_start3A_254 = tpu.memref_squeeze %dma_start3A_253 : memref<1x128x128xf32, #tpu.memory_space<hbm>> -> memref<128x128xf32, #tpu.memory_space<hbm>>
    %dma_start3A_255 = arith.constant 0 : i32
    %dma_start3A_256 = arith.constant 0 : i32
    %dma_start3A_257 = tpu.memref_slice %arg8[%dma_start3A_244, %dma_start3A_255, %dma_start3A_256] : memref<7x128x128xf32, #tpu.memory_space<vmem>> -> memref<1x128x128xf32, #tpu.memory_space<vmem>>
    %dma_start3A_258 = tpu.memref_squeeze %dma_start3A_257 : memref<1x128x128xf32, #tpu.memory_space<vmem>> -> memref<128x128xf32, #tpu.memory_space<vmem>>
    tpu.enqueue_dma source(%dma_start3A_258 : memref<128x128xf32, #tpu.memory_space<vmem>>) target(%dma_start3A_254 : memref<128x128xf32, #tpu.memory_space<hbm>>) target_semaphore(%arg10 : memref<!tpu.dma_semaphore, #tpu.memory_space<semaphore_mem>>)
    %dma_wait3A_259 = arith.constant 0 : i32
    %dma_wait3A_260 = arith.constant 2 : i32
    %dma_wait3A_261 = arith.constant 0 : i32
    %dma_wait3A_262 = arith.constant 0 : i32
    %dma_wait3A_263 = tpu.memref_slice %arg8[%dma_wait3A_260, %dma_wait3A_261, %dma_wait3A_262] : memref<7x128x128xf32, #tpu.memory_space<vmem>> -> memref<1x128x128xf32, #tpu.memory_space<vmem>>
    %dma_wait3A_264 = tpu.memref_squeeze %dma_wait3A_263 : memref<1x128x128xf32, #tpu.memory_space<vmem>> -> memref<128x128xf32, #tpu.memory_space<vmem>>
    %dma_wait3A_265 = arith.constant 0 : i32
    %dma_wait3A_266 = arith.constant 0 : i32
    %dma_wait3A_267 = tpu.memref_slice %arg2[%dma_wait3A_259, %dma_wait3A_265, %dma_wait3A_266] : memref<1x8192x128xf32, #tpu.memory_space<hbm>> -> memref<1x8192x128xf32, #tpu.memory_space<hbm>>
    %dma_wait3A_268 = tpu.memref_squeeze %dma_wait3A_267 : memref<1x8192x128xf32, #tpu.memory_space<hbm>> -> memref<8192x128xf32, #tpu.memory_space<hbm>>
    %dma_wait3A_269 = arith.constant 0 : i32
    %dma_wait3A_270 = arith.constant 0 : i32
    %dma_wait3A_271 = tpu.memref_slice %dma_wait3A_268[%dma_wait3A_269, %dma_wait3A_270] : memref<8192x128xf32, #tpu.memory_space<hbm>> -> memref<128x128xf32, #tpu.memory_space<hbm>>
    %dma_wait3A_272 = arith.constant 0 : i32
    %dma_wait3A_273 = arith.constant 0 : i32
    %dma_wait3A_274 = tpu.memref_slice %arg8[%dma_wait3A_260, %dma_wait3A_272, %dma_wait3A_273] : memref<7x128x128xf32, #tpu.memory_space<vmem>> -> memref<1x128x128xf32, #tpu.memory_space<vmem>>
    %dma_wait3A_275 = tpu.memref_squeeze %dma_wait3A_274 : memref<1x128x128xf32, #tpu.memory_space<vmem>> -> memref<128x128xf32, #tpu.memory_space<vmem>>
    %dma_wait3A_276 = arith.constant 0 : i32
    %dma_wait3A_277 = arith.constant 0 : i32
    %dma_wait3A_278 = tpu.memref_slice %arg2[%dma_wait3A_259, %dma_wait3A_276, %dma_wait3A_277] : memref<1x8192x128xf32, #tpu.memory_space<hbm>> -> memref<1x8192x128xf32, #tpu.memory_space<hbm>>
    %dma_wait3A_279 = tpu.memref_squeeze %dma_wait3A_278 : memref<1x8192x128xf32, #tpu.memory_space<hbm>> -> memref<8192x128xf32, #tpu.memory_space<hbm>>
    %dma_wait3A_280 = arith.constant 0 : i32
    %dma_wait3A_281 = arith.constant 0 : i32
    %dma_wait3A_282 = tpu.memref_slice %dma_wait3A_279[%dma_wait3A_280, %dma_wait3A_281] : memref<8192x128xf32, #tpu.memory_space<hbm>> -> memref<128x128xf32, #tpu.memory_space<hbm>>
    tpu.wait_dma2 semaphore(%arg9 : memref<!tpu.dma_semaphore, #tpu.memory_space<semaphore_mem>>) src(%dma_wait3A_282 : memref<128x128xf32, #tpu.memory_space<hbm>>) dst(%dma_wait3A_275 : memref<128x128xf32, #tpu.memory_space<vmem>>)
    %add3A_283 = arith.constant 256 : i32
    %add3A_284 = arith.addi %mul3A_34, %add3A_283 : i32
    %dma_start3A_285 = arith.constant 2 : i32
    %dma_start3A_286 = arith.constant 0 : i32
    %dma_start3A_287 = arith.constant 0 : i32
    %dma_start3A_288 = tpu.memref_slice %arg8[%dma_start3A_285, %dma_start3A_286, %dma_start3A_287] : memref<7x128x128xf32, #tpu.memory_space<vmem>> -> memref<1x128x128xf32, #tpu.memory_space<vmem>>
    %dma_start3A_289 = tpu.memref_squeeze %dma_start3A_288 : memref<1x128x128xf32, #tpu.memory_space<vmem>> -> memref<128x128xf32, #tpu.memory_space<vmem>>
    %dma_start3A_290 = arith.constant 0 : i32
    %dma_start3A_291 = tpu.memref_slice %arg5[%select_n3A, %add3A_284, %dma_start3A_290] : memref<4x4096x128xf32, #tpu.memory_space<hbm>> -> memref<1x128x128xf32, #tpu.memory_space<hbm>>
    %dma_start3A_292 = tpu.memref_squeeze %dma_start3A_291 : memref<1x128x128xf32, #tpu.memory_space<hbm>> -> memref<128x128xf32, #tpu.memory_space<hbm>>
    %dma_start3A_293 = arith.constant 0 : i32
    %dma_start3A_294 = tpu.memref_slice %arg5[%select_n3A, %add3A_284, %dma_start3A_293] : memref<4x4096x128xf32, #tpu.memory_space<hbm>> -> memref<1x128x128xf32, #tpu.memory_space<hbm>>
    %dma_start3A_295 = tpu.memref_squeeze %dma_start3A_294 : memref<1x128x128xf32, #tpu.memory_space<hbm>> -> memref<128x128xf32, #tpu.memory_space<hbm>>
    %dma_start3A_296 = arith.constant 0 : i32
    %dma_start3A_297 = arith.constant 0 : i32
    %dma_start3A_298 = tpu.memref_slice %arg8[%dma_start3A_285, %dma_start3A_296, %dma_start3A_297] : memref<7x128x128xf32, #tpu.memory_space<vmem>> -> memref<1x128x128xf32, #tpu.memory_space<vmem>>
    %dma_start3A_299 = tpu.memref_squeeze %dma_start3A_298 : memref<1x128x128xf32, #tpu.memory_space<vmem>> -> memref<128x128xf32, #tpu.memory_space<vmem>>
    tpu.enqueue_dma source(%dma_start3A_299 : memref<128x128xf32, #tpu.memory_space<vmem>>) target(%dma_start3A_295 : memref<128x128xf32, #tpu.memory_space<hbm>>) target_semaphore(%arg10 : memref<!tpu.dma_semaphore, #tpu.memory_space<semaphore_mem>>)
    %dma_wait3A_300 = arith.constant 0 : i32
    %dma_wait3A_301 = arith.constant 3 : i32
    %dma_wait3A_302 = arith.constant 0 : i32
    %dma_wait3A_303 = arith.constant 0 : i32
    %dma_wait3A_304 = tpu.memref_slice %arg8[%dma_wait3A_301, %dma_wait3A_302, %dma_wait3A_303] : memref<7x128x128xf32, #tpu.memory_space<vmem>> -> memref<1x128x128xf32, #tpu.memory_space<vmem>>
    %dma_wait3A_305 = tpu.memref_squeeze %dma_wait3A_304 : memref<1x128x128xf32, #tpu.memory_space<vmem>> -> memref<128x128xf32, #tpu.memory_space<vmem>>
    %dma_wait3A_306 = arith.constant 0 : i32
    %dma_wait3A_307 = arith.constant 0 : i32
    %dma_wait3A_308 = tpu.memref_slice %arg2[%dma_wait3A_300, %dma_wait3A_306, %dma_wait3A_307] : memref<1x8192x128xf32, #tpu.memory_space<hbm>> -> memref<1x8192x128xf32, #tpu.memory_space<hbm>>
    %dma_wait3A_309 = tpu.memref_squeeze %dma_wait3A_308 : memref<1x8192x128xf32, #tpu.memory_space<hbm>> -> memref<8192x128xf32, #tpu.memory_space<hbm>>
    %dma_wait3A_310 = arith.constant 0 : i32
    %dma_wait3A_311 = arith.constant 0 : i32
    %dma_wait3A_312 = tpu.memref_slice %dma_wait3A_309[%dma_wait3A_310, %dma_wait3A_311] : memref<8192x128xf32, #tpu.memory_space<hbm>> -> memref<128x128xf32, #tpu.memory_space<hbm>>
    %dma_wait3A_313 = arith.constant 0 : i32
    %dma_wait3A_314 = arith.constant 0 : i32
    %dma_wait3A_315 = tpu.memref_slice %arg8[%dma_wait3A_301, %dma_wait3A_313, %dma_wait3A_314] : memref<7x128x128xf32, #tpu.memory_space<vmem>> -> memref<1x128x128xf32, #tpu.memory_space<vmem>>
    %dma_wait3A_316 = tpu.memref_squeeze %dma_wait3A_315 : memref<1x128x128xf32, #tpu.memory_space<vmem>> -> memref<128x128xf32, #tpu.memory_space<vmem>>
    %dma_wait3A_317 = arith.constant 0 : i32
    %dma_wait3A_318 = arith.constant 0 : i32
    %dma_wait3A_319 = tpu.memref_slice %arg2[%dma_wait3A_300, %dma_wait3A_317, %dma_wait3A_318] : memref<1x8192x128xf32, #tpu.memory_space<hbm>> -> memref<1x8192x128xf32, #tpu.memory_space<hbm>>
    %dma_wait3A_320 = tpu.memref_squeeze %dma_wait3A_319 : memref<1x8192x128xf32, #tpu.memory_space<hbm>> -> memref<8192x128xf32, #tpu.memory_space<hbm>>
    %dma_wait3A_321 = arith.constant 0 : i32
    %dma_wait3A_322 = arith.constant 0 : i32
    %dma_wait3A_323 = tpu.memref_slice %dma_wait3A_320[%dma_wait3A_321, %dma_wait3A_322] : memref<8192x128xf32, #tpu.memory_space<hbm>> -> memref<128x128xf32, #tpu.memory_space<hbm>>
    tpu.wait_dma2 semaphore(%arg9 : memref<!tpu.dma_semaphore, #tpu.memory_space<semaphore_mem>>) src(%dma_wait3A_323 : memref<128x128xf32, #tpu.memory_space<hbm>>) dst(%dma_wait3A_316 : memref<128x128xf32, #tpu.memory_space<vmem>>)
    %add3A_324 = arith.constant 384 : i32
    %add3A_325 = arith.addi %mul3A_34, %add3A_324 : i32
    %dma_start3A_326 = arith.constant 3 : i32
    %dma_start3A_327 = arith.constant 0 : i32
    %dma_start3A_328 = arith.constant 0 : i32
    %dma_start3A_329 = tpu.memref_slice %arg8[%dma_start3A_326, %dma_start3A_327, %dma_start3A_328] : memref<7x128x128xf32, #tpu.memory_space<vmem>> -> memref<1x128x128xf32, #tpu.memory_space<vmem>>
    %dma_start3A_330 = tpu.memref_squeeze %dma_start3A_329 : memref<1x128x128xf32, #tpu.memory_space<vmem>> -> memref<128x128xf32, #tpu.memory_space<vmem>>
    %dma_start3A_331 = arith.constant 0 : i32
    %dma_start3A_332 = tpu.memref_slice %arg5[%select_n3A, %add3A_325, %dma_start3A_331] : memref<4x4096x128xf32, #tpu.memory_space<hbm>> -> memref<1x128x128xf32, #tpu.memory_space<hbm>>
    %dma_start3A_333 = tpu.memref_squeeze %dma_start3A_332 : memref<1x128x128xf32, #tpu.memory_space<hbm>> -> memref<128x128xf32, #tpu.memory_space<hbm>>
    %dma_start3A_334 = arith.constant 0 : i32
    %dma_start3A_335 = tpu.memref_slice %arg5[%select_n3A, %add3A_325, %dma_start3A_334] : memref<4x4096x128xf32, #tpu.memory_space<hbm>> -> memref<1x128x128xf32, #tpu.memory_space<hbm>>
    %dma_start3A_336 = tpu.memref_squeeze %dma_start3A_335 : memref<1x128x128xf32, #tpu.memory_space<hbm>> -> memref<128x128xf32, #tpu.memory_space<hbm>>
    %dma_start3A_337 = arith.constant 0 : i32
    %dma_start3A_338 = arith.constant 0 : i32
    %dma_start3A_339 = tpu.memref_slice %arg8[%dma_start3A_326, %dma_start3A_337, %dma_start3A_338] : memref<7x128x128xf32, #tpu.memory_space<vmem>> -> memref<1x128x128xf32, #tpu.memory_space<vmem>>
    %dma_start3A_340 = tpu.memref_squeeze %dma_start3A_339 : memref<1x128x128xf32, #tpu.memory_space<vmem>> -> memref<128x128xf32, #tpu.memory_space<vmem>>
    tpu.enqueue_dma source(%dma_start3A_340 : memref<128x128xf32, #tpu.memory_space<vmem>>) target(%dma_start3A_336 : memref<128x128xf32, #tpu.memory_space<hbm>>) target_semaphore(%arg10 : memref<!tpu.dma_semaphore, #tpu.memory_space<semaphore_mem>>)
    %dma_wait3A_341 = arith.constant 0 : i32
    %dma_wait3A_342 = arith.constant 4 : i32
    %dma_wait3A_343 = arith.constant 0 : i32
    %dma_wait3A_344 = arith.constant 0 : i32
    %dma_wait3A_345 = tpu.memref_slice %arg8[%dma_wait3A_342, %dma_wait3A_343, %dma_wait3A_344] : memref<7x128x128xf32, #tpu.memory_space<vmem>> -> memref<1x128x128xf32, #tpu.memory_space<vmem>>
    %dma_wait3A_346 = tpu.memref_squeeze %dma_wait3A_345 : memref<1x128x128xf32, #tpu.memory_space<vmem>> -> memref<128x128xf32, #tpu.memory_space<vmem>>
    %dma_wait3A_347 = arith.constant 0 : i32
    %dma_wait3A_348 = arith.constant 0 : i32
    %dma_wait3A_349 = tpu.memref_slice %arg2[%dma_wait3A_341, %dma_wait3A_347, %dma_wait3A_348] : memref<1x8192x128xf32, #tpu.memory_space<hbm>> -> memref<1x8192x128xf32, #tpu.memory_space<hbm>>
    %dma_wait3A_350 = tpu.memref_squeeze %dma_wait3A_349 : memref<1x8192x128xf32, #tpu.memory_space<hbm>> -> memref<8192x128xf32, #tpu.memory_space<hbm>>
    %dma_wait3A_351 = arith.constant 0 : i32
    %dma_wait3A_352 = arith.constant 0 : i32
    %dma_wait3A_353 = tpu.memref_slice %dma_wait3A_350[%dma_wait3A_351, %dma_wait3A_352] : memref<8192x128xf32, #tpu.memory_space<hbm>> -> memref<128x128xf32, #tpu.memory_space<hbm>>
    %dma_wait3A_354 = arith.constant 0 : i32
    %dma_wait3A_355 = arith.constant 0 : i32
    %dma_wait3A_356 = tpu.memref_slice %arg8[%dma_wait3A_342, %dma_wait3A_354, %dma_wait3A_355] : memref<7x128x128xf32, #tpu.memory_space<vmem>> -> memref<1x128x128xf32, #tpu.memory_space<vmem>>
    %dma_wait3A_357 = tpu.memref_squeeze %dma_wait3A_356 : memref<1x128x128xf32, #tpu.memory_space<vmem>> -> memref<128x128xf32, #tpu.memory_space<vmem>>
    %dma_wait3A_358 = arith.constant 0 : i32
    %dma_wait3A_359 = arith.constant 0 : i32
    %dma_wait3A_360 = tpu.memref_slice %arg2[%dma_wait3A_341, %dma_wait3A_358, %dma_wait3A_359] : memref<1x8192x128xf32, #tpu.memory_space<hbm>> -> memref<1x8192x128xf32, #tpu.memory_space<hbm>>
    %dma_wait3A_361 = tpu.memref_squeeze %dma_wait3A_360 : memref<1x8192x128xf32, #tpu.memory_space<hbm>> -> memref<8192x128xf32, #tpu.memory_space<hbm>>
    %dma_wait3A_362 = arith.constant 0 : i32
    %dma_wait3A_363 = arith.constant 0 : i32
    %dma_wait3A_364 = tpu.memref_slice %dma_wait3A_361[%dma_wait3A_362, %dma_wait3A_363] : memref<8192x128xf32, #tpu.memory_space<hbm>> -> memref<128x128xf32, #tpu.memory_space<hbm>>
    tpu.wait_dma2 semaphore(%arg9 : memref<!tpu.dma_semaphore, #tpu.memory_space<semaphore_mem>>) src(%dma_wait3A_364 : memref<128x128xf32, #tpu.memory_space<hbm>>) dst(%dma_wait3A_357 : memref<128x128xf32, #tpu.memory_space<vmem>>)
    %add3A_365 = arith.constant 0 : i32
    %add3A_366 = arith.addi %mul3A_34, %add3A_365 : i32
    %dma_start3A_367 = arith.constant 4 : i32
    %dma_start3A_368 = arith.constant 0 : i32
    %dma_start3A_369 = arith.constant 0 : i32
    %dma_start3A_370 = tpu.memref_slice %arg8[%dma_start3A_367, %dma_start3A_368, %dma_start3A_369] : memref<7x128x128xf32, #tpu.memory_space<vmem>> -> memref<1x128x128xf32, #tpu.memory_space<vmem>>
    %dma_start3A_371 = tpu.memref_squeeze %dma_start3A_370 : memref<1x128x128xf32, #tpu.memory_space<vmem>> -> memref<128x128xf32, #tpu.memory_space<vmem>>
    %dma_start3A_372 = arith.constant 0 : i32
    %dma_start3A_373 = tpu.memref_slice %arg6[%select_n3A, %add3A_366, %dma_start3A_372] : memref<4x4096x128xf32, #tpu.memory_space<hbm>> -> memref<1x128x128xf32, #tpu.memory_space<hbm>>
    %dma_start3A_374 = tpu.memref_squeeze %dma_start3A_373 : memref<1x128x128xf32, #tpu.memory_space<hbm>> -> memref<128x128xf32, #tpu.memory_space<hbm>>
    %dma_start3A_375 = arith.constant 0 : i32
    %dma_start3A_376 = tpu.memref_slice %arg6[%select_n3A, %add3A_366, %dma_start3A_375] : memref<4x4096x128xf32, #tpu.memory_space<hbm>> -> memref<1x128x128xf32, #tpu.memory_space<hbm>>
    %dma_start3A_377 = tpu.memref_squeeze %dma_start3A_376 : memref<1x128x128xf32, #tpu.memory_space<hbm>> -> memref<128x128xf32, #tpu.memory_space<hbm>>
    %dma_start3A_378 = arith.constant 0 : i32
    %dma_start3A_379 = arith.constant 0 : i32
    %dma_start3A_380 = tpu.memref_slice %arg8[%dma_start3A_367, %dma_start3A_378, %dma_start3A_379] : memref<7x128x128xf32, #tpu.memory_space<vmem>> -> memref<1x128x128xf32, #tpu.memory_space<vmem>>
    %dma_start3A_381 = tpu.memref_squeeze %dma_start3A_380 : memref<1x128x128xf32, #tpu.memory_space<vmem>> -> memref<128x128xf32, #tpu.memory_space<vmem>>
    tpu.enqueue_dma source(%dma_start3A_381 : memref<128x128xf32, #tpu.memory_space<vmem>>) target(%dma_start3A_377 : memref<128x128xf32, #tpu.memory_space<hbm>>) target_semaphore(%arg10 : memref<!tpu.dma_semaphore, #tpu.memory_space<semaphore_mem>>)
    %dma_wait3A_382 = arith.constant 0 : i32
    %dma_wait3A_383 = arith.constant 5 : i32
    %dma_wait3A_384 = arith.constant 0 : i32
    %dma_wait3A_385 = arith.constant 0 : i32
    %dma_wait3A_386 = tpu.memref_slice %arg8[%dma_wait3A_383, %dma_wait3A_384, %dma_wait3A_385] : memref<7x128x128xf32, #tpu.memory_space<vmem>> -> memref<1x128x128xf32, #tpu.memory_space<vmem>>
    %dma_wait3A_387 = tpu.memref_squeeze %dma_wait3A_386 : memref<1x128x128xf32, #tpu.memory_space<vmem>> -> memref<128x128xf32, #tpu.memory_space<vmem>>
    %dma_wait3A_388 = arith.constant 0 : i32
    %dma_wait3A_389 = arith.constant 0 : i32
    %dma_wait3A_390 = tpu.memref_slice %arg2[%dma_wait3A_382, %dma_wait3A_388, %dma_wait3A_389] : memref<1x8192x128xf32, #tpu.memory_space<hbm>> -> memref<1x8192x128xf32, #tpu.memory_space<hbm>>
    %dma_wait3A_391 = tpu.memref_squeeze %dma_wait3A_390 : memref<1x8192x128xf32, #tpu.memory_space<hbm>> -> memref<8192x128xf32, #tpu.memory_space<hbm>>
    %dma_wait3A_392 = arith.constant 0 : i32
    %dma_wait3A_393 = arith.constant 0 : i32
    %dma_wait3A_394 = tpu.memref_slice %dma_wait3A_391[%dma_wait3A_392, %dma_wait3A_393] : memref<8192x128xf32, #tpu.memory_space<hbm>> -> memref<128x128xf32, #tpu.memory_space<hbm>>
    %dma_wait3A_395 = arith.constant 0 : i32
    %dma_wait3A_396 = arith.constant 0 : i32
    %dma_wait3A_397 = tpu.memref_slice %arg8[%dma_wait3A_383, %dma_wait3A_395, %dma_wait3A_396] : memref<7x128x128xf32, #tpu.memory_space<vmem>> -> memref<1x128x128xf32, #tpu.memory_space<vmem>>
    %dma_wait3A_398 = tpu.memref_squeeze %dma_wait3A_397 : memref<1x128x128xf32, #tpu.memory_space<vmem>> -> memref<128x128xf32, #tpu.memory_space<vmem>>
    %dma_wait3A_399 = arith.constant 0 : i32
    %dma_wait3A_400 = arith.constant 0 : i32
    %dma_wait3A_401 = tpu.memref_slice %arg2[%dma_wait3A_382, %dma_wait3A_399, %dma_wait3A_400] : memref<1x8192x128xf32, #tpu.memory_space<hbm>> -> memref<1x8192x128xf32, #tpu.memory_space<hbm>>
    %dma_wait3A_402 = tpu.memref_squeeze %dma_wait3A_401 : memref<1x8192x128xf32, #tpu.memory_space<hbm>> -> memref<8192x128xf32, #tpu.memory_space<hbm>>
    %dma_wait3A_403 = arith.constant 0 : i32
    %dma_wait3A_404 = arith.constant 0 : i32
    %dma_wait3A_405 = tpu.memref_slice %dma_wait3A_402[%dma_wait3A_403, %dma_wait3A_404] : memref<8192x128xf32, #tpu.memory_space<hbm>> -> memref<128x128xf32, #tpu.memory_space<hbm>>
    tpu.wait_dma2 semaphore(%arg9 : memref<!tpu.dma_semaphore, #tpu.memory_space<semaphore_mem>>) src(%dma_wait3A_405 : memref<128x128xf32, #tpu.memory_space<hbm>>) dst(%dma_wait3A_398 : memref<128x128xf32, #tpu.memory_space<vmem>>)
    %add3A_406 = arith.constant 128 : i32
    %add3A_407 = arith.addi %mul3A_34, %add3A_406 : i32
    %dma_start3A_408 = arith.constant 5 : i32
    %dma_start3A_409 = arith.constant 0 : i32
    %dma_start3A_410 = arith.constant 0 : i32
    %dma_start3A_411 = tpu.memref_slice %arg8[%dma_start3A_408, %dma_start3A_409, %dma_start3A_410] : memref<7x128x128xf32, #tpu.memory_space<vmem>> -> memref<1x128x128xf32, #tpu.memory_space<vmem>>
    %dma_start3A_412 = tpu.memref_squeeze %dma_start3A_411 : memref<1x128x128xf32, #tpu.memory_space<vmem>> -> memref<128x128xf32, #tpu.memory_space<vmem>>
    %dma_start3A_413 = arith.constant 0 : i32
    %dma_start3A_414 = tpu.memref_slice %arg6[%select_n3A, %add3A_407, %dma_start3A_413] : memref<4x4096x128xf32, #tpu.memory_space<hbm>> -> memref<1x128x128xf32, #tpu.memory_space<hbm>>
    %dma_start3A_415 = tpu.memref_squeeze %dma_start3A_414 : memref<1x128x128xf32, #tpu.memory_space<hbm>> -> memref<128x128xf32, #tpu.memory_space<hbm>>
    %dma_start3A_416 = arith.constant 0 : i32
    %dma_start3A_417 = tpu.memref_slice %arg6[%select_n3A, %add3A_407, %dma_start3A_416] : memref<4x4096x128xf32, #tpu.memory_space<hbm>> -> memref<1x128x128xf32, #tpu.memory_space<hbm>>
    %dma_start3A_418 = tpu.memref_squeeze %dma_start3A_417 : memref<1x128x128xf32, #tpu.memory_space<hbm>> -> memref<128x128xf32, #tpu.memory_space<hbm>>
    %dma_start3A_419 = arith.constant 0 : i32
    %dma_start3A_420 = arith.constant 0 : i32
    %dma_start3A_421 = tpu.memref_slice %arg8[%dma_start3A_408, %dma_start3A_419, %dma_start3A_420] : memref<7x128x128xf32, #tpu.memory_space<vmem>> -> memref<1x128x128xf32, #tpu.memory_space<vmem>>
    %dma_start3A_422 = tpu.memref_squeeze %dma_start3A_421 : memref<1x128x128xf32, #tpu.memory_space<vmem>> -> memref<128x128xf32, #tpu.memory_space<vmem>>
    tpu.enqueue_dma source(%dma_start3A_422 : memref<128x128xf32, #tpu.memory_space<vmem>>) target(%dma_start3A_418 : memref<128x128xf32, #tpu.memory_space<hbm>>) target_semaphore(%arg10 : memref<!tpu.dma_semaphore, #tpu.memory_space<semaphore_mem>>)
    %dma_wait3A_423 = arith.constant 0 : i32
    %dma_wait3A_424 = arith.constant 6 : i32
    %dma_wait3A_425 = arith.constant 0 : i32
    %dma_wait3A_426 = arith.constant 0 : i32
    %dma_wait3A_427 = tpu.memref_slice %arg8[%dma_wait3A_424, %dma_wait3A_425, %dma_wait3A_426] : memref<7x128x128xf32, #tpu.memory_space<vmem>> -> memref<1x128x128xf32, #tpu.memory_space<vmem>>
    %dma_wait3A_428 = tpu.memref_squeeze %dma_wait3A_427 : memref<1x128x128xf32, #tpu.memory_space<vmem>> -> memref<128x128xf32, #tpu.memory_space<vmem>>
    %dma_wait3A_429 = arith.constant 0 : i32
    %dma_wait3A_430 = arith.constant 0 : i32
    %dma_wait3A_431 = tpu.memref_slice %arg2[%dma_wait3A_423, %dma_wait3A_429, %dma_wait3A_430] : memref<1x8192x128xf32, #tpu.memory_space<hbm>> -> memref<1x8192x128xf32, #tpu.memory_space<hbm>>
    %dma_wait3A_432 = tpu.memref_squeeze %dma_wait3A_431 : memref<1x8192x128xf32, #tpu.memory_space<hbm>> -> memref<8192x128xf32, #tpu.memory_space<hbm>>
    %dma_wait3A_433 = arith.constant 0 : i32
    %dma_wait3A_434 = arith.constant 0 : i32
    %dma_wait3A_435 = tpu.memref_slice %dma_wait3A_432[%dma_wait3A_433, %dma_wait3A_434] : memref<8192x128xf32, #tpu.memory_space<hbm>> -> memref<128x128xf32, #tpu.memory_space<hbm>>
    %dma_wait3A_436 = arith.constant 0 : i32
    %dma_wait3A_437 = arith.constant 0 : i32
    %dma_wait3A_438 = tpu.memref_slice %arg8[%dma_wait3A_424, %dma_wait3A_436, %dma_wait3A_437] : memref<7x128x128xf32, #tpu.memory_space<vmem>> -> memref<1x128x128xf32, #tpu.memory_space<vmem>>
    %dma_wait3A_439 = tpu.memref_squeeze %dma_wait3A_438 : memref<1x128x128xf32, #tpu.memory_space<vmem>> -> memref<128x128xf32, #tpu.memory_space<vmem>>
    %dma_wait3A_440 = arith.constant 0 : i32
    %dma_wait3A_441 = arith.constant 0 : i32
    %dma_wait3A_442 = tpu.memref_slice %arg2[%dma_wait3A_423, %dma_wait3A_440, %dma_wait3A_441] : memref<1x8192x128xf32, #tpu.memory_space<hbm>> -> memref<1x8192x128xf32, #tpu.memory_space<hbm>>
    %dma_wait3A_443 = tpu.memref_squeeze %dma_wait3A_442 : memref<1x8192x128xf32, #tpu.memory_space<hbm>> -> memref<8192x128xf32, #tpu.memory_space<hbm>>
    %dma_wait3A_444 = arith.constant 0 : i32
    %dma_wait3A_445 = arith.constant 0 : i32
    %dma_wait3A_446 = tpu.memref_slice %dma_wait3A_443[%dma_wait3A_444, %dma_wait3A_445] : memref<8192x128xf32, #tpu.memory_space<hbm>> -> memref<128x128xf32, #tpu.memory_space<hbm>>
    tpu.wait_dma2 semaphore(%arg9 : memref<!tpu.dma_semaphore, #tpu.memory_space<semaphore_mem>>) src(%dma_wait3A_446 : memref<128x128xf32, #tpu.memory_space<hbm>>) dst(%dma_wait3A_439 : memref<128x128xf32, #tpu.memory_space<vmem>>)
    %add3A_447 = arith.constant 256 : i32
    %add3A_448 = arith.addi %mul3A_34, %add3A_447 : i32
    %dma_start3A_449 = arith.constant 6 : i32
    %dma_start3A_450 = arith.constant 0 : i32
    %dma_start3A_451 = arith.constant 0 : i32
    %dma_start3A_452 = tpu.memref_slice %arg8[%dma_start3A_449, %dma_start3A_450, %dma_start3A_451] : memref<7x128x128xf32, #tpu.memory_space<vmem>> -> memref<1x128x128xf32, #tpu.memory_space<vmem>>
    %dma_start3A_453 = tpu.memref_squeeze %dma_start3A_452 : memref<1x128x128xf32, #tpu.memory_space<vmem>> -> memref<128x128xf32, #tpu.memory_space<vmem>>
    %dma_start3A_454 = arith.constant 0 : i32
    %dma_start3A_455 = tpu.memref_slice %arg6[%select_n3A, %add3A_448, %dma_start3A_454] : memref<4x4096x128xf32, #tpu.memory_space<hbm>> -> memref<1x128x128xf32, #tpu.memory_space<hbm>>
    %dma_start3A_456 = tpu.memref_squeeze %dma_start3A_455 : memref<1x128x128xf32, #tpu.memory_space<hbm>> -> memref<128x128xf32, #tpu.memory_space<hbm>>
    %dma_start3A_457 = arith.constant 0 : i32
    %dma_start3A_458 = tpu.memref_slice %arg6[%select_n3A, %add3A_448, %dma_start3A_457] : memref<4x4096x128xf32, #tpu.memory_space<hbm>> -> memref<1x128x128xf32, #tpu.memory_space<hbm>>
    %dma_start3A_459 = tpu.memref_squeeze %dma_start3A_458 : memref<1x128x128xf32, #tpu.memory_space<hbm>> -> memref<128x128xf32, #tpu.memory_space<hbm>>
    %dma_start3A_460 = arith.constant 0 : i32
    %dma_start3A_461 = arith.constant 0 : i32
    %dma_start3A_462 = tpu.memref_slice %arg8[%dma_start3A_449, %dma_start3A_460, %dma_start3A_461] : memref<7x128x128xf32, #tpu.memory_space<vmem>> -> memref<1x128x128xf32, #tpu.memory_space<vmem>>
    %dma_start3A_463 = tpu.memref_squeeze %dma_start3A_462 : memref<1x128x128xf32, #tpu.memory_space<vmem>> -> memref<128x128xf32, #tpu.memory_space<vmem>>
    tpu.enqueue_dma source(%dma_start3A_463 : memref<128x128xf32, #tpu.memory_space<vmem>>) target(%dma_start3A_459 : memref<128x128xf32, #tpu.memory_space<hbm>>) target_semaphore(%arg10 : memref<!tpu.dma_semaphore, #tpu.memory_space<semaphore_mem>>)
    %dma_wait3A_464 = arith.constant 0 : i32
    %dma_wait3A_465 = arith.constant 0 : i32
    %dma_wait3A_466 = arith.constant 0 : i32
    %dma_wait3A_467 = arith.constant 0 : i32
    %dma_wait3A_468 = tpu.memref_slice %arg8[%dma_wait3A_465, %dma_wait3A_466, %dma_wait3A_467] : memref<7x128x128xf32, #tpu.memory_space<vmem>> -> memref<1x128x128xf32, #tpu.memory_space<vmem>>
    %dma_wait3A_469 = tpu.memref_squeeze %dma_wait3A_468 : memref<1x128x128xf32, #tpu.memory_space<vmem>> -> memref<128x128xf32, #tpu.memory_space<vmem>>
    %dma_wait3A_470 = arith.constant 0 : i32
    %dma_wait3A_471 = arith.constant 0 : i32
    %dma_wait3A_472 = tpu.memref_slice %arg2[%dma_wait3A_464, %dma_wait3A_470, %dma_wait3A_471] : memref<1x8192x128xf32, #tpu.memory_space<hbm>> -> memref<1x8192x128xf32, #tpu.memory_space<hbm>>
    %dma_wait3A_473 = tpu.memref_squeeze %dma_wait3A_472 : memref<1x8192x128xf32, #tpu.memory_space<hbm>> -> memref<8192x128xf32, #tpu.memory_space<hbm>>
    %dma_wait3A_474 = arith.constant 0 : i32
    %dma_wait3A_475 = arith.constant 0 : i32
    %dma_wait3A_476 = tpu.memref_slice %dma_wait3A_473[%dma_wait3A_474, %dma_wait3A_475] : memref<8192x128xf32, #tpu.memory_space<hbm>> -> memref<128x128xf32, #tpu.memory_space<hbm>>
    %dma_wait3A_477 = arith.constant 0 : i32
    %dma_wait3A_478 = arith.constant 0 : i32
    %dma_wait3A_479 = tpu.memref_slice %arg8[%dma_wait3A_465, %dma_wait3A_477, %dma_wait3A_478] : memref<7x128x128xf32, #tpu.memory_space<vmem>> -> memref<1x128x128xf32, #tpu.memory_space<vmem>>
    %dma_wait3A_480 = tpu.memref_squeeze %dma_wait3A_479 : memref<1x128x128xf32, #tpu.memory_space<vmem>> -> memref<128x128xf32, #tpu.memory_space<vmem>>
    %dma_wait3A_481 = arith.constant 0 : i32
    %dma_wait3A_482 = arith.constant 0 : i32
    %dma_wait3A_483 = tpu.memref_slice %arg2[%dma_wait3A_464, %dma_wait3A_481, %dma_wait3A_482] : memref<1x8192x128xf32, #tpu.memory_space<hbm>> -> memref<1x8192x128xf32, #tpu.memory_space<hbm>>
    %dma_wait3A_484 = tpu.memref_squeeze %dma_wait3A_483 : memref<1x8192x128xf32, #tpu.memory_space<hbm>> -> memref<8192x128xf32, #tpu.memory_space<hbm>>
    %dma_wait3A_485 = arith.constant 0 : i32
    %dma_wait3A_486 = arith.constant 0 : i32
    %dma_wait3A_487 = tpu.memref_slice %dma_wait3A_484[%dma_wait3A_485, %dma_wait3A_486] : memref<8192x128xf32, #tpu.memory_space<hbm>> -> memref<128x128xf32, #tpu.memory_space<hbm>>
    tpu.wait_dma2 semaphore(%arg9 : memref<!tpu.dma_semaphore, #tpu.memory_space<semaphore_mem>>) src(%dma_wait3A_487 : memref<128x128xf32, #tpu.memory_space<hbm>>) dst(%dma_wait3A_480 : memref<128x128xf32, #tpu.memory_space<vmem>>)
    %add3A_488 = arith.constant 384 : i32
    %add3A_489 = arith.addi %mul3A_34, %add3A_488 : i32
    %dma_start3A_490 = arith.constant 0 : i32
    %dma_start3A_491 = arith.constant 0 : i32
    %dma_start3A_492 = arith.constant 0 : i32
    %dma_start3A_493 = tpu.memref_slice %arg8[%dma_start3A_490, %dma_start3A_491, %dma_start3A_492] : memref<7x128x128xf32, #tpu.memory_space<vmem>> -> memref<1x128x128xf32, #tpu.memory_space<vmem>>
    %dma_start3A_494 = tpu.memref_squeeze %dma_start3A_493 : memref<1x128x128xf32, #tpu.memory_space<vmem>> -> memref<128x128xf32, #tpu.memory_space<vmem>>
    %dma_start3A_495 = arith.constant 0 : i32
    %dma_start3A_496 = tpu.memref_slice %arg6[%select_n3A, %add3A_489, %dma_start3A_495] : memref<4x4096x128xf32, #tpu.memory_space<hbm>> -> memref<1x128x128xf32, #tpu.memory_space<hbm>>
    %dma_start3A_497 = tpu.memref_squeeze %dma_start3A_496 : memref<1x128x128xf32, #tpu.memory_space<hbm>> -> memref<128x128xf32, #tpu.memory_space<hbm>>
    %dma_start3A_498 = arith.constant 0 : i32
    %dma_start3A_499 = tpu.memref_slice %arg6[%select_n3A, %add3A_489, %dma_start3A_498] : memref<4x4096x128xf32, #tpu.memory_space<hbm>> -> memref<1x128x128xf32, #tpu.memory_space<hbm>>
    %dma_start3A_500 = tpu.memref_squeeze %dma_start3A_499 : memref<1x128x128xf32, #tpu.memory_space<hbm>> -> memref<128x128xf32, #tpu.memory_space<hbm>>
    %dma_start3A_501 = arith.constant 0 : i32
    %dma_start3A_502 = arith.constant 0 : i32
    %dma_start3A_503 = tpu.memref_slice %arg8[%dma_start3A_490, %dma_start3A_501, %dma_start3A_502] : memref<7x128x128xf32, #tpu.memory_space<vmem>> -> memref<1x128x128xf32, #tpu.memory_space<vmem>>
    %dma_start3A_504 = tpu.memref_squeeze %dma_start3A_503 : memref<1x128x128xf32, #tpu.memory_space<vmem>> -> memref<128x128xf32, #tpu.memory_space<vmem>>
    tpu.enqueue_dma source(%dma_start3A_504 : memref<128x128xf32, #tpu.memory_space<vmem>>) target(%dma_start3A_500 : memref<128x128xf32, #tpu.memory_space<hbm>>) target_semaphore(%arg10 : memref<!tpu.dma_semaphore, #tpu.memory_space<semaphore_mem>>)
    %dma_wait3A_505 = arith.constant 0 : i32
    %dma_wait3A_506 = arith.constant 0 : i32
    %dma_wait3A_507 = arith.constant 0 : i32
    %dma_wait3A_508 = arith.constant 0 : i32
    %dma_wait3A_509 = tpu.memref_slice %arg8[%dma_wait3A_506, %dma_wait3A_507, %dma_wait3A_508] : memref<7x128x128xf32, #tpu.memory_space<vmem>> -> memref<1x128x128xf32, #tpu.memory_space<vmem>>
    %dma_wait3A_510 = tpu.memref_squeeze %dma_wait3A_509 : memref<1x128x128xf32, #tpu.memory_space<vmem>> -> memref<128x128xf32, #tpu.memory_space<vmem>>
    %dma_wait3A_511 = arith.constant 0 : i32
    %dma_wait3A_512 = arith.constant 0 : i32
    %dma_wait3A_513 = tpu.memref_slice %arg2[%dma_wait3A_505, %dma_wait3A_511, %dma_wait3A_512] : memref<1x8192x128xf32, #tpu.memory_space<hbm>> -> memref<1x8192x128xf32, #tpu.memory_space<hbm>>
    %dma_wait3A_514 = tpu.memref_squeeze %dma_wait3A_513 : memref<1x8192x128xf32, #tpu.memory_space<hbm>> -> memref<8192x128xf32, #tpu.memory_space<hbm>>
    %dma_wait3A_515 = arith.constant 0 : i32
    %dma_wait3A_516 = arith.constant 0 : i32
    %dma_wait3A_517 = tpu.memref_slice %dma_wait3A_514[%dma_wait3A_515, %dma_wait3A_516] : memref<8192x128xf32, #tpu.memory_space<hbm>> -> memref<128x128xf32, #tpu.memory_space<hbm>>
    %dma_wait3A_518 = arith.constant 0 : i32
    %dma_wait3A_519 = arith.constant 0 : i32
    %dma_wait3A_520 = tpu.memref_slice %arg8[%dma_wait3A_506, %dma_wait3A_518, %dma_wait3A_519] : memref<7x128x128xf32, #tpu.memory_space<vmem>> -> memref<1x128x128xf32, #tpu.memory_space<vmem>>
    %dma_wait3A_521 = tpu.memref_squeeze %dma_wait3A_520 : memref<1x128x128xf32, #tpu.memory_space<vmem>> -> memref<128x128xf32, #tpu.memory_space<vmem>>
    %dma_wait3A_522 = arith.constant 0 : i32
    %dma_wait3A_523 = arith.constant 0 : i32
    %dma_wait3A_524 = tpu.memref_slice %arg2[%dma_wait3A_505, %dma_wait3A_522, %dma_wait3A_523] : memref<1x8192x128xf32, #tpu.memory_space<hbm>> -> memref<1x8192x128xf32, #tpu.memory_space<hbm>>
    %dma_wait3A_525 = tpu.memref_squeeze %dma_wait3A_524 : memref<1x8192x128xf32, #tpu.memory_space<hbm>> -> memref<8192x128xf32, #tpu.memory_space<hbm>>
    %dma_wait3A_526 = arith.constant 0 : i32
    %dma_wait3A_527 = arith.constant 0 : i32
    %dma_wait3A_528 = tpu.memref_slice %dma_wait3A_525[%dma_wait3A_526, %dma_wait3A_527] : memref<8192x128xf32, #tpu.memory_space<hbm>> -> memref<128x128xf32, #tpu.memory_space<hbm>>
    tpu.wait_dma2 semaphore(%arg10 : memref<!tpu.dma_semaphore, #tpu.memory_space<semaphore_mem>>) src(%dma_wait3A_528 : memref<128x128xf32, #tpu.memory_space<hbm>>) dst(%dma_wait3A_521 : memref<128x128xf32, #tpu.memory_space<vmem>>)
    %dma_wait3A_529 = arith.constant 0 : i32
    %dma_wait3A_530 = arith.constant 1 : i32
    %dma_wait3A_531 = arith.constant 0 : i32
    %dma_wait3A_532 = arith.constant 0 : i32
    %dma_wait3A_533 = tpu.memref_slice %arg8[%dma_wait3A_530, %dma_wait3A_531, %dma_wait3A_532] : memref<7x128x128xf32, #tpu.memory_space<vmem>> -> memref<1x128x128xf32, #tpu.memory_space<vmem>>
    %dma_wait3A_534 = tpu.memref_squeeze %dma_wait3A_533 : memref<1x128x128xf32, #tpu.memory_space<vmem>> -> memref<128x128xf32, #tpu.memory_space<vmem>>
    %dma_wait3A_535 = arith.constant 0 : i32
    %dma_wait3A_536 = arith.constant 0 : i32
    %dma_wait3A_537 = tpu.memref_slice %arg2[%dma_wait3A_529, %dma_wait3A_535, %dma_wait3A_536] : memref<1x8192x128xf32, #tpu.memory_space<hbm>> -> memref<1x8192x128xf32, #tpu.memory_space<hbm>>
    %dma_wait3A_538 = tpu.memref_squeeze %dma_wait3A_537 : memref<1x8192x128xf32, #tpu.memory_space<hbm>> -> memref<8192x128xf32, #tpu.memory_space<hbm>>
    %dma_wait3A_539 = arith.constant 0 : i32
    %dma_wait3A_540 = arith.constant 0 : i32
    %dma_wait3A_541 = tpu.memref_slice %dma_wait3A_538[%dma_wait3A_539, %dma_wait3A_540] : memref<8192x128xf32, #tpu.memory_space<hbm>> -> memref<128x128xf32, #tpu.memory_space<hbm>>
    %dma_wait3A_542 = arith.constant 0 : i32
    %dma_wait3A_543 = arith.constant 0 : i32
    %dma_wait3A_544 = tpu.memref_slice %arg8[%dma_wait3A_530, %dma_wait3A_542, %dma_wait3A_543] : memref<7x128x128xf32, #tpu.memory_space<vmem>> -> memref<1x128x128xf32, #tpu.memory_space<vmem>>
    %dma_wait3A_545 = tpu.memref_squeeze %dma_wait3A_544 : memref<1x128x128xf32, #tpu.memory_space<vmem>> -> memref<128x128xf32, #tpu.memory_space<vmem>>
    %dma_wait3A_546 = arith.constant 0 : i32
    %dma_wait3A_547 = arith.constant 0 : i32
    %dma_wait3A_548 = tpu.memref_slice %arg2[%dma_wait3A_529, %dma_wait3A_546, %dma_wait3A_547] : memref<1x8192x128xf32, #tpu.memory_space<hbm>> -> memref<1x8192x128xf32, #tpu.memory_space<hbm>>
    %dma_wait3A_549 = tpu.memref_squeeze %dma_wait3A_548 : memref<1x8192x128xf32, #tpu.memory_space<hbm>> -> memref<8192x128xf32, #tpu.memory_space<hbm>>
    %dma_wait3A_550 = arith.constant 0 : i32
    %dma_wait3A_551 = arith.constant 0 : i32
    %dma_wait3A_552 = tpu.memref_slice %dma_wait3A_549[%dma_wait3A_550, %dma_wait3A_551] : memref<8192x128xf32, #tpu.memory_space<hbm>> -> memref<128x128xf32, #tpu.memory_space<hbm>>
    tpu.wait_dma2 semaphore(%arg10 : memref<!tpu.dma_semaphore, #tpu.memory_space<semaphore_mem>>) src(%dma_wait3A_552 : memref<128x128xf32, #tpu.memory_space<hbm>>) dst(%dma_wait3A_545 : memref<128x128xf32, #tpu.memory_space<vmem>>)
    %dma_wait3A_553 = arith.constant 0 : i32
    %dma_wait3A_554 = arith.constant 2 : i32
    %dma_wait3A_555 = arith.constant 0 : i32
    %dma_wait3A_556 = arith.constant 0 : i32
    %dma_wait3A_557 = tpu.memref_slice %arg8[%dma_wait3A_554, %dma_wait3A_555, %dma_wait3A_556] : memref<7x128x128xf32, #tpu.memory_space<vmem>> -> memref<1x128x128xf32, #tpu.memory_space<vmem>>
    %dma_wait3A_558 = tpu.memref_squeeze %dma_wait3A_557 : memref<1x128x128xf32, #tpu.memory_space<vmem>> -> memref<128x128xf32, #tpu.memory_space<vmem>>
    %dma_wait3A_559 = arith.constant 0 : i32
    %dma_wait3A_560 = arith.constant 0 : i32
    %dma_wait3A_561 = tpu.memref_slice %arg2[%dma_wait3A_553, %dma_wait3A_559, %dma_wait3A_560] : memref<1x8192x128xf32, #tpu.memory_space<hbm>> -> memref<1x8192x128xf32, #tpu.memory_space<hbm>>
    %dma_wait3A_562 = tpu.memref_squeeze %dma_wait3A_561 : memref<1x8192x128xf32, #tpu.memory_space<hbm>> -> memref<8192x128xf32, #tpu.memory_space<hbm>>
    %dma_wait3A_563 = arith.constant 0 : i32
    %dma_wait3A_564 = arith.constant 0 : i32
    %dma_wait3A_565 = tpu.memref_slice %dma_wait3A_562[%dma_wait3A_563, %dma_wait3A_564] : memref<8192x128xf32, #tpu.memory_space<hbm>> -> memref<128x128xf32, #tpu.memory_space<hbm>>
    %dma_wait3A_566 = arith.constant 0 : i32
    %dma_wait3A_567 = arith.constant 0 : i32
    %dma_wait3A_568 = tpu.memref_slice %arg8[%dma_wait3A_554, %dma_wait3A_566, %dma_wait3A_567] : memref<7x128x128xf32, #tpu.memory_space<vmem>> -> memref<1x128x128xf32, #tpu.memory_space<vmem>>
    %dma_wait3A_569 = tpu.memref_squeeze %dma_wait3A_568 : memref<1x128x128xf32, #tpu.memory_space<vmem>> -> memref<128x128xf32, #tpu.memory_space<vmem>>
    %dma_wait3A_570 = arith.constant 0 : i32
    %dma_wait3A_571 = arith.constant 0 : i32
    %dma_wait3A_572 = tpu.memref_slice %arg2[%dma_wait3A_553, %dma_wait3A_570, %dma_wait3A_571] : memref<1x8192x128xf32, #tpu.memory_space<hbm>> -> memref<1x8192x128xf32, #tpu.memory_space<hbm>>
    %dma_wait3A_573 = tpu.memref_squeeze %dma_wait3A_572 : memref<1x8192x128xf32, #tpu.memory_space<hbm>> -> memref<8192x128xf32, #tpu.memory_space<hbm>>
    %dma_wait3A_574 = arith.constant 0 : i32
    %dma_wait3A_575 = arith.constant 0 : i32
    %dma_wait3A_576 = tpu.memref_slice %dma_wait3A_573[%dma_wait3A_574, %dma_wait3A_575] : memref<8192x128xf32, #tpu.memory_space<hbm>> -> memref<128x128xf32, #tpu.memory_space<hbm>>
    tpu.wait_dma2 semaphore(%arg10 : memref<!tpu.dma_semaphore, #tpu.memory_space<semaphore_mem>>) src(%dma_wait3A_576 : memref<128x128xf32, #tpu.memory_space<hbm>>) dst(%dma_wait3A_569 : memref<128x128xf32, #tpu.memory_space<vmem>>)
    %dma_wait3A_577 = arith.constant 0 : i32
    %dma_wait3A_578 = arith.constant 3 : i32
    %dma_wait3A_579 = arith.constant 0 : i32
    %dma_wait3A_580 = arith.constant 0 : i32
    %dma_wait3A_581 = tpu.memref_slice %arg8[%dma_wait3A_578, %dma_wait3A_579, %dma_wait3A_580] : memref<7x128x128xf32, #tpu.memory_space<vmem>> -> memref<1x128x128xf32, #tpu.memory_space<vmem>>
    %dma_wait3A_582 = tpu.memref_squeeze %dma_wait3A_581 : memref<1x128x128xf32, #tpu.memory_space<vmem>> -> memref<128x128xf32, #tpu.memory_space<vmem>>
    %dma_wait3A_583 = arith.constant 0 : i32
    %dma_wait3A_584 = arith.constant 0 : i32
    %dma_wait3A_585 = tpu.memref_slice %arg2[%dma_wait3A_577, %dma_wait3A_583, %dma_wait3A_584] : memref<1x8192x128xf32, #tpu.memory_space<hbm>> -> memref<1x8192x128xf32, #tpu.memory_space<hbm>>
    %dma_wait3A_586 = tpu.memref_squeeze %dma_wait3A_585 : memref<1x8192x128xf32, #tpu.memory_space<hbm>> -> memref<8192x128xf32, #tpu.memory_space<hbm>>
    %dma_wait3A_587 = arith.constant 0 : i32
    %dma_wait3A_588 = arith.constant 0 : i32
    %dma_wait3A_589 = tpu.memref_slice %dma_wait3A_586[%dma_wait3A_587, %dma_wait3A_588] : memref<8192x128xf32, #tpu.memory_space<hbm>> -> memref<128x128xf32, #tpu.memory_space<hbm>>
    %dma_wait3A_590 = arith.constant 0 : i32
    %dma_wait3A_591 = arith.constant 0 : i32
    %dma_wait3A_592 = tpu.memref_slice %arg8[%dma_wait3A_578, %dma_wait3A_590, %dma_wait3A_591] : memref<7x128x128xf32, #tpu.memory_space<vmem>> -> memref<1x128x128xf32, #tpu.memory_space<vmem>>
    %dma_wait3A_593 = tpu.memref_squeeze %dma_wait3A_592 : memref<1x128x128xf32, #tpu.memory_space<vmem>> -> memref<128x128xf32, #tpu.memory_space<vmem>>
    %dma_wait3A_594 = arith.constant 0 : i32
    %dma_wait3A_595 = arith.constant 0 : i32
    %dma_wait3A_596 = tpu.memref_slice %arg2[%dma_wait3A_577, %dma_wait3A_594, %dma_wait3A_595] : memref<1x8192x128xf32, #tpu.memory_space<hbm>> -> memref<1x8192x128xf32, #tpu.memory_space<hbm>>
    %dma_wait3A_597 = tpu.memref_squeeze %dma_wait3A_596 : memref<1x8192x128xf32, #tpu.memory_space<hbm>> -> memref<8192x128xf32, #tpu.memory_space<hbm>>
    %dma_wait3A_598 = arith.constant 0 : i32
    %dma_wait3A_599 = arith.constant 0 : i32
    %dma_wait3A_600 = tpu.memref_slice %dma_wait3A_597[%dma_wait3A_598, %dma_wait3A_599] : memref<8192x128xf32, #tpu.memory_space<hbm>> -> memref<128x128xf32, #tpu.memory_space<hbm>>
    tpu.wait_dma2 semaphore(%arg10 : memref<!tpu.dma_semaphore, #tpu.memory_space<semaphore_mem>>) src(%dma_wait3A_600 : memref<128x128xf32, #tpu.memory_space<hbm>>) dst(%dma_wait3A_593 : memref<128x128xf32, #tpu.memory_space<vmem>>)
    %dma_wait3A_601 = arith.constant 0 : i32
    %dma_wait3A_602 = arith.constant 4 : i32
    %dma_wait3A_603 = arith.constant 0 : i32
    %dma_wait3A_604 = arith.constant 0 : i32
    %dma_wait3A_605 = tpu.memref_slice %arg8[%dma_wait3A_602, %dma_wait3A_603, %dma_wait3A_604] : memref<7x128x128xf32, #tpu.memory_space<vmem>> -> memref<1x128x128xf32, #tpu.memory_space<vmem>>
    %dma_wait3A_606 = tpu.memref_squeeze %dma_wait3A_605 : memref<1x128x128xf32, #tpu.memory_space<vmem>> -> memref<128x128xf32, #tpu.memory_space<vmem>>
    %dma_wait3A_607 = arith.constant 0 : i32
    %dma_wait3A_608 = arith.constant 0 : i32
    %dma_wait3A_609 = tpu.memref_slice %arg2[%dma_wait3A_601, %dma_wait3A_607, %dma_wait3A_608] : memref<1x8192x128xf32, #tpu.memory_space<hbm>> -> memref<1x8192x128xf32, #tpu.memory_space<hbm>>
    %dma_wait3A_610 = tpu.memref_squeeze %dma_wait3A_609 : memref<1x8192x128xf32, #tpu.memory_space<hbm>> -> memref<8192x128xf32, #tpu.memory_space<hbm>>
    %dma_wait3A_611 = arith.constant 0 : i32
    %dma_wait3A_612 = arith.constant 0 : i32
    %dma_wait3A_613 = tpu.memref_slice %dma_wait3A_610[%dma_wait3A_611, %dma_wait3A_612] : memref<8192x128xf32, #tpu.memory_space<hbm>> -> memref<128x128xf32, #tpu.memory_space<hbm>>
    %dma_wait3A_614 = arith.constant 0 : i32
    %dma_wait3A_615 = arith.constant 0 : i32
    %dma_wait3A_616 = tpu.memref_slice %arg8[%dma_wait3A_602, %dma_wait3A_614, %dma_wait3A_615] : memref<7x128x128xf32, #tpu.memory_space<vmem>> -> memref<1x128x128xf32, #tpu.memory_space<vmem>>
    %dma_wait3A_617 = tpu.memref_squeeze %dma_wait3A_616 : memref<1x128x128xf32, #tpu.memory_space<vmem>> -> memref<128x128xf32, #tpu.memory_space<vmem>>
    %dma_wait3A_618 = arith.constant 0 : i32
    %dma_wait3A_619 = arith.constant 0 : i32
    %dma_wait3A_620 = tpu.memref_slice %arg2[%dma_wait3A_601, %dma_wait3A_618, %dma_wait3A_619] : memref<1x8192x128xf32, #tpu.memory_space<hbm>> -> memref<1x8192x128xf32, #tpu.memory_space<hbm>>
    %dma_wait3A_621 = tpu.memref_squeeze %dma_wait3A_620 : memref<1x8192x128xf32, #tpu.memory_space<hbm>> -> memref<8192x128xf32, #tpu.memory_space<hbm>>
    %dma_wait3A_622 = arith.constant 0 : i32
    %dma_wait3A_623 = arith.constant 0 : i32
    %dma_wait3A_624 = tpu.memref_slice %dma_wait3A_621[%dma_wait3A_622, %dma_wait3A_623] : memref<8192x128xf32, #tpu.memory_space<hbm>> -> memref<128x128xf32, #tpu.memory_space<hbm>>
    tpu.wait_dma2 semaphore(%arg10 : memref<!tpu.dma_semaphore, #tpu.memory_space<semaphore_mem>>) src(%dma_wait3A_624 : memref<128x128xf32, #tpu.memory_space<hbm>>) dst(%dma_wait3A_617 : memref<128x128xf32, #tpu.memory_space<vmem>>)
    %dma_wait3A_625 = arith.constant 0 : i32
    %dma_wait3A_626 = arith.constant 5 : i32
    %dma_wait3A_627 = arith.constant 0 : i32
    %dma_wait3A_628 = arith.constant 0 : i32
    %dma_wait3A_629 = tpu.memref_slice %arg8[%dma_wait3A_626, %dma_wait3A_627, %dma_wait3A_628] : memref<7x128x128xf32, #tpu.memory_space<vmem>> -> memref<1x128x128xf32, #tpu.memory_space<vmem>>
    %dma_wait3A_630 = tpu.memref_squeeze %dma_wait3A_629 : memref<1x128x128xf32, #tpu.memory_space<vmem>> -> memref<128x128xf32, #tpu.memory_space<vmem>>
    %dma_wait3A_631 = arith.constant 0 : i32
    %dma_wait3A_632 = arith.constant 0 : i32
    %dma_wait3A_633 = tpu.memref_slice %arg2[%dma_wait3A_625, %dma_wait3A_631, %dma_wait3A_632] : memref<1x8192x128xf32, #tpu.memory_space<hbm>> -> memref<1x8192x128xf32, #tpu.memory_space<hbm>>
    %dma_wait3A_634 = tpu.memref_squeeze %dma_wait3A_633 : memref<1x8192x128xf32, #tpu.memory_space<hbm>> -> memref<8192x128xf32, #tpu.memory_space<hbm>>
    %dma_wait3A_635 = arith.constant 0 : i32
    %dma_wait3A_636 = arith.constant 0 : i32
    %dma_wait3A_637 = tpu.memref_slice %dma_wait3A_634[%dma_wait3A_635, %dma_wait3A_636] : memref<8192x128xf32, #tpu.memory_space<hbm>> -> memref<128x128xf32, #tpu.memory_space<hbm>>
    %dma_wait3A_638 = arith.constant 0 : i32
    %dma_wait3A_639 = arith.constant 0 : i32
    %dma_wait3A_640 = tpu.memref_slice %arg8[%dma_wait3A_626, %dma_wait3A_638, %dma_wait3A_639] : memref<7x128x128xf32, #tpu.memory_space<vmem>> -> memref<1x128x128xf32, #tpu.memory_space<vmem>>
    %dma_wait3A_641 = tpu.memref_squeeze %dma_wait3A_640 : memref<1x128x128xf32, #tpu.memory_space<vmem>> -> memref<128x128xf32, #tpu.memory_space<vmem>>
    %dma_wait3A_642 = arith.constant 0 : i32
    %dma_wait3A_643 = arith.constant 0 : i32
    %dma_wait3A_644 = tpu.memref_slice %arg2[%dma_wait3A_625, %dma_wait3A_642, %dma_wait3A_643] : memref<1x8192x128xf32, #tpu.memory_space<hbm>> -> memref<1x8192x128xf32, #tpu.memory_space<hbm>>
    %dma_wait3A_645 = tpu.memref_squeeze %dma_wait3A_644 : memref<1x8192x128xf32, #tpu.memory_space<hbm>> -> memref<8192x128xf32, #tpu.memory_space<hbm>>
    %dma_wait3A_646 = arith.constant 0 : i32
    %dma_wait3A_647 = arith.constant 0 : i32
    %dma_wait3A_648 = tpu.memref_slice %dma_wait3A_645[%dma_wait3A_646, %dma_wait3A_647] : memref<8192x128xf32, #tpu.memory_space<hbm>> -> memref<128x128xf32, #tpu.memory_space<hbm>>
    tpu.wait_dma2 semaphore(%arg10 : memref<!tpu.dma_semaphore, #tpu.memory_space<semaphore_mem>>) src(%dma_wait3A_648 : memref<128x128xf32, #tpu.memory_space<hbm>>) dst(%dma_wait3A_641 : memref<128x128xf32, #tpu.memory_space<vmem>>)
    %dma_wait3A_649 = arith.constant 0 : i32
    %dma_wait3A_650 = arith.constant 6 : i32
    %dma_wait3A_651 = arith.constant 0 : i32
    %dma_wait3A_652 = arith.constant 0 : i32
    %dma_wait3A_653 = tpu.memref_slice %arg8[%dma_wait3A_650, %dma_wait3A_651, %dma_wait3A_652] : memref<7x128x128xf32, #tpu.memory_space<vmem>> -> memref<1x128x128xf32, #tpu.memory_space<vmem>>
    %dma_wait3A_654 = tpu.memref_squeeze %dma_wait3A_653 : memref<1x128x128xf32, #tpu.memory_space<vmem>> -> memref<128x128xf32, #tpu.memory_space<vmem>>
    %dma_wait3A_655 = arith.constant 0 : i32
    %dma_wait3A_656 = arith.constant 0 : i32
    %dma_wait3A_657 = tpu.memref_slice %arg2[%dma_wait3A_649, %dma_wait3A_655, %dma_wait3A_656] : memref<1x8192x128xf32, #tpu.memory_space<hbm>> -> memref<1x8192x128xf32, #tpu.memory_space<hbm>>
    %dma_wait3A_658 = tpu.memref_squeeze %dma_wait3A_657 : memref<1x8192x128xf32, #tpu.memory_space<hbm>> -> memref<8192x128xf32, #tpu.memory_space<hbm>>
    %dma_wait3A_659 = arith.constant 0 : i32
    %dma_wait3A_660 = arith.constant 0 : i32
    %dma_wait3A_661 = tpu.memref_slice %dma_wait3A_658[%dma_wait3A_659, %dma_wait3A_660] : memref<8192x128xf32, #tpu.memory_space<hbm>> -> memref<128x128xf32, #tpu.memory_space<hbm>>
    %dma_wait3A_662 = arith.constant 0 : i32
    %dma_wait3A_663 = arith.constant 0 : i32
    %dma_wait3A_664 = tpu.memref_slice %arg8[%dma_wait3A_650, %dma_wait3A_662, %dma_wait3A_663] : memref<7x128x128xf32, #tpu.memory_space<vmem>> -> memref<1x128x128xf32, #tpu.memory_space<vmem>>
    %dma_wait3A_665 = tpu.memref_squeeze %dma_wait3A_664 : memref<1x128x128xf32, #tpu.memory_space<vmem>> -> memref<128x128xf32, #tpu.memory_space<vmem>>
    %dma_wait3A_666 = arith.constant 0 : i32
    %dma_wait3A_667 = arith.constant 0 : i32
    %dma_wait3A_668 = tpu.memref_slice %arg2[%dma_wait3A_649, %dma_wait3A_666, %dma_wait3A_667] : memref<1x8192x128xf32, #tpu.memory_space<hbm>> -> memref<1x8192x128xf32, #tpu.memory_space<hbm>>
    %dma_wait3A_669 = tpu.memref_squeeze %dma_wait3A_668 : memref<1x8192x128xf32, #tpu.memory_space<hbm>> -> memref<8192x128xf32, #tpu.memory_space<hbm>>
    %dma_wait3A_670 = arith.constant 0 : i32
    %dma_wait3A_671 = arith.constant 0 : i32
    %dma_wait3A_672 = tpu.memref_slice %dma_wait3A_669[%dma_wait3A_670, %dma_wait3A_671] : memref<8192x128xf32, #tpu.memory_space<hbm>> -> memref<128x128xf32, #tpu.memory_space<hbm>>
    tpu.wait_dma2 semaphore(%arg10 : memref<!tpu.dma_semaphore, #tpu.memory_space<semaphore_mem>>) src(%dma_wait3A_672 : memref<128x128xf32, #tpu.memory_space<hbm>>) dst(%dma_wait3A_665 : memref<128x128xf32, #tpu.memory_space<vmem>>)
    return
  }
}

</mosaic_0001>

<sc_bundles>
// kernel: kernel.3.cloned.1.call-start
scs
__scs_entry_jumppad:
0x0: {  	(pc) =	sbr.rel $0x88, $3  }
0x1: {  	(tag) =	ssettag $0x0;
	lr =	simm.s32 $0x1  }
0x2: {  	[smem:$0x3F9E] =	sst lr;
	_ =	strace $0xD0000000  }
0x3: {  	_ = 	snop  }
0x4: {  	_ = 	snop  }
0x5: {  	_ = 	snop  }
0x6: {  	_ = 	snop  }
0x7: {  	_ = 	snop  }
__scs_overlays_trampoline_lowered:
0x8: {  	[smem:$0x3FAD] =	sst s0  }
0x9: {  	[smem:$0x3FAE] =	sst s1  }
0xa: {  	[smem:$0x3FAF] =	sst s2  }
0xb: {  	[smem:$0x3FB0] =	sst s3  }
0xc: {  	[smem:$0x3FB1] =	sst s4  }
0xd: {  	[smem:$0x3FB2] =	sst s5  }
0xe: {  	[smem:$0x3FB3] =	sst s6  }
0xf: {  	[smem:$0x3FB4] =	sst s7  }
0x10: {  	[smem:$0x3FB5] =	sst s8  }
0x11: {  	[smem:$0x3FB6] =	sst s9;
	s0 =	simm.s32 @!p0 $0x0  }
0x12: {  	s1 =	sld [smem:$0x3F9C];
	s0 =	simm.s32 @p0 $0x1  }
0x13: {  	[smem:$0x3FB7] =	sst s0;
	s0 =	simm.s32 @!p1 $0x0  }
0x14: {  	s2 =	sld [smem:$0x3F9B];
	s0 =	simm.s32 @p1 $0x1  }
0x15: {  	[smem:$0x3FB8] =	sst s0;
	s0 =	simm.s32 @!p2 $0x0  }
0x16: {  	s3 =	sld [smem:$0x3FDB];
	s0 =	simm.s32 @p2 $0x1  }
0x17: {  	s4 =	simm.s32 $0x1BF5;
	[smem:$0x3FBA] =	sst s0  }
0x18: {  	s0 =	sld [smem:$0x3F9D];
	_ =	swait.ge [sflag:s4], $0x0  }
0x19: {  	s7 =	sld [smem:$0x3F9E]  }
0x1a: {  	s8 =	sadd.s32 $0xFFFFE003, lr  }
0x1b: {  	s9 =	sadd.s32 $0xFFFFFEF7, lr;
	s5 =	simm.s32 $0xFFFFFFFF;
	p2 =	slt.u32 s8, $0xFFFFF086  }
0x1c: {  	p1 =	slt.u32 s9, $0xF7A;
	s5 =	simm.s32 @!p2 $0x0  }
0x1d: {  	s5 =	simm.s32 @p1 $0x1;
	p0 =	seq.s32 s7, s2  }
0x1e: {  	s7 =	smul.u32 @!p0 $0xF7A, s2;
	p2 =	seq.s32 @!p0 s5, $0x0  }
0x1f: {  	s9 =	smul.u32 $0xF7A, s1;
	s8 =	simm.s32 @!p0 $0x1BF5;
	p2 =	por !p2, p0  }
0x20: {  	[sflag:s8] =	ssyncset.s32 @!p0 $0xFFFFF086;
	s6 =	sadd.s32 @!p0 s3, s7;
	s7 =	simm.s32 @!p0 $0x108  }
0x21: {  	s3 =	sadd.s32 s3, s9;
	s6 =	sadd.s32 @!p0 $0x88, s6;
	s7 =	simm.s32 @p2 $0x1082  }
0x22: {  	[simem:s7], [sflag:s8] =	dma.local @!p0 [hbm:s6], $0xF7A  }
0x23: {  	s9 =	sor.u32 $0xD0000000, s2;
	s6 =	simm.s32 $0x108;
	_ =	swait.ge @!p0 [sflag:s8], $0x0  }
0x24: {  	s3 =	sadd.s32 $0x88, s3;
	s6 =	simm.s32 @!p1 $0x1082;
	[sflag:s4] =	ssyncset.s32 $0xFFFFF086  }
0x25: {  	[simem:s6], [sflag:s4] =	dma.local [hbm:s3], $0xF7A  }
0x26: {  	[smem:$0x3F9E] =	sst s1;
	(tag) =	ssettag s2;
	_ =	strace s9  }
0x27: {  	s1 =	sld [smem:$0x3FAE]  }
0x28: {  	s2 =	sld [smem:$0x3FAF]  }
0x29: {  	s4 =	sld [smem:$0x3FB1]  }
0x2a: {  	p0 =	seq.s32 s5, $0x0;
	s5 =	sld [smem:$0x3FB2]  }
0x2b: {  	s6 =	sld [smem:$0x3FB3]  }
0x2c: {  	s7 =	sld [smem:$0x3FB4]  }
0x2d: {  	s3 =	simm.s32 $0x108;
	s8 =	sld [smem:$0x3FB5]  }
0x2e: {  	s3 =	simm.s32 @!p0 $0x1082;
	s9 =	sld [smem:$0x3FB6]  }
0x2f: {  	lr =	sadd.s32 s0, s3;
	s0 =	sld [smem:$0x3FAD]  }
0x30: {  	s3 =	sld [smem:$0x3FB0]  }
0x31: {  	[smem:$0x3FB9] =	sst s10  }
0x32: {  	s10 =	sld [smem:$0x3FB7];
	_ =	sdelay $0x3  }
0x33: {  	p0 =	seq.s32 s10, $0x1;
	s10 =	sld [smem:$0x3FB9];
	_ =	sdelay $0x3  }
0x34: {  	[smem:$0x3FB9] =	sst s10  }
0x35: {  	s10 =	sld [smem:$0x3FB8];
	_ =	sdelay $0x3  }
0x36: {  	p1 =	seq.s32 s10, $0x1;
	s10 =	sld [smem:$0x3FB9];
	_ =	sdelay $0x3  }
0x37: {  	[smem:$0x3FB9] =	sst s10  }
0x38: {  	s10 =	sld [smem:$0x3FBA]  }
0x39: {  	_ = 	snop;
	(pc) =	sbr.ind lr, $3  }
0x3a: {  	_ = 	snop  }
0x3b: {  	_ = 	snop  }
0x3c: {  	p2 =	seq.s32 s10, $0x1;
	s10 =	sld [smem:$0x3FB9]  }
0x3d: {  	_ =	shalt  }
0x3e: {  	_ =	shalt  }
0x3f: {  	_ =	shalt  }
0x40: {  	_ =	shalt  }
0x41: {  	_ =	shalt  }
0x42: {  	_ =	shalt  }
0x43: {  	_ =	shalt  }
0x44: {  	_ =	shalt  }
0x45: {  	_ =	shalt  }
0x46: {  	_ =	shalt  }
0x47: {  	_ =	shalt  }
0x48: {  	_ =	shalt  }
0x49: {  	_ =	shalt  }
0x4a: {  	_ =	shalt  }
0x4b: {  	_ =	shalt  }
0x4c: {  	_ =	shalt  }
0x4d: {  	_ =	shalt  }
0x4e: {  	_ =	shalt  }
0x4f: {  	_ =	shalt  }
0x50: {  	_ =	shalt  }
0x51: {  	_ =	shalt  }
0x52: {  	_ =	shalt  }
0x53: {  	_ =	shalt  }
0x54: {  	_ =	shalt  }
0x55: {  	_ =	shalt  }
0x56: {  	_ =	shalt  }
0x57: {  	_ =	shalt  }
0x58: {  	_ =	shalt  }
0x59: {  	_ =	shalt  }
0x5a: {  	_ =	shalt  }
0x5b: {  	_ =	shalt  }
0x5c: {  	_ =	shalt  }
0x5d: {  	_ =	shalt  }
0x5e: {  	_ =	shalt  }
0x5f: {  	_ =	shalt  }
0x60: {  	_ =	shalt  }
0x61: {  	_ =	shalt  }
0x62: {  	_ =	shalt  }
0x63: {  	_ =	shalt  }
0x64: {  	_ =	shalt  }
0x65: {  	_ =	shalt  }
0x66: {  	_ =	shalt  }
0x67: {  	_ =	shalt  }
0x68: {  	_ =	shalt  }
0x69: {  	_ =	shalt  }
0x6a: {  	_ =	shalt  }
0x6b: {  	_ =	shalt  }
0x6c: {  	_ =	shalt  }
0x6d: {  	_ =	shalt  }
0x6e: {  	_ =	shalt  }
0x6f: {  	_ =	shalt  }
0x70: {  	_ =	shalt  }
0x71: {  	_ =	shalt  }
0x72: {  	_ =	shalt  }
0x73: {  	_ =	shalt  }
0x74: {  	_ =	shalt  }
0x75: {  	_ =	shalt  }
0x76: {  	_ =	shalt  }
0x77: {  	_ =	shalt  }
0x78: {  	_ =	shalt  }
0x79: {  	_ =	shalt  }
0x7a: {  	_ =	shalt  }
0x7b: {  	_ =	shalt  }
0x7c: {  	_ =	shalt  }
0x7d: {  	_ =	shalt  }
0x7e: {  	_ =	shalt  }
0x7f: {  	_ =	shalt  }
0x80: {  	_ =	shalt  }
0x81: {  	_ =	shalt  }
0x82: {  	_ =	shalt  }
0x83: {  	_ =	shalt  }
0x84: {  	_ =	shalt  }
0x85: {  	_ =	shalt  }
0x86: {  	_ =	shalt  }
0x87: {  	_ =	shalt  }
.Lfunc_end0:
.L_simem_size_0:
called_computation_lowered:
.L_overlay_start_0:
0x88: {  	s2 =	sld [smem:$0x3FD9]  }
0x89: {  	s3 =	sld [smem:$0x3FFE];
	_ =	sdelay $0x1  }
0x8a: {  	s1 =	srdreg.scid  }
0x8b: {  	s0 =	sand.u32 $0x1, s1  }
0x8c: {  	s15 =	sshll.u32 s0, $0xA;
	s2 =	sadd.s32 s3, s2  }
0x8d: {  	s2 =	sadd.s32 s2, s15  }
0x8e: {  	[smem:$0x3FC5] =	sst s2  }
0x8f: {  	_ = 	snop  }
0x90: {  	s2 =	sld [smem:$0x3FD0]  }
0x91: {  	s16 =	sld [smem:$0x3FC9]  }
0x92: {  	s4 =	sld [smem:$0x3FC8]  }
0x93: {  	s6 =	simm.s32 $0xA;
	s7 =	simm.s32 $0x10;
	s5 =	sld [smem:$0x3FC7]  }
0x94: {  	[smem:s7], [sflag:s6] =	dma.local [hbm:s2], $0x1  }
0x95: {  	_ =	swait.eq [sflag:s6], $0x1  }
0x96: {  	[sflag:s6] =	ssyncset.done $0x0  }
0x97: {  	s17 =	sld [smem:$0x10];
	[sflag:s6] =	ssyncadd.s32 $0xFFFFFFFF  }
0x98: {  	s18 =	sld [smem:$0x11];
	(tm) =	ssettm $0x1  }
0x99: {  	s19 =	sld [smem:$0x3FFB];
	_ =	sdelay $0x3  }
0x9a: {  	_ =	strace s19  }
0x9b: {  	s7 =	sld [smem:$0x3FFC];
	_ =	sdelay $0x3  }
0x9c: {  	_ =	strace s7  }
0x9d: {  	s7 =	sld [smem:$0x3FFD];
	_ =	sdelay $0x3  }
0x9e: {  	_ =	strace s7  }
0x9f: {  	_ =	strace $0x8FFFFFFF  }
0xa0: {  	s20 =	sld [smem:$0x3FDB];
	_ =	sdelay $0x1  }
0xa1: {  	s8 =	simm.s32 $_scs_section_size  }
0xa2: {  	s9 =	simm.s32 $_size__tile_overlayer_lowered;
	s10 =	simm.s32 $_tile_overlayer_lowered  }
0xa3: {  	s23 =	simm.s32 $0x1BFF;
	s22 =	sshll.u32 s10, $0x1;
	s7 =	sadd.s32 s8, s20  }
0xa4: {  	s11 =	simm.s32 $0x0;
	s21 =	sshll.u32 s9, $0x1;
	s9 =	sadd.s32 s22, s7  }
0xa5: {  	[timem:s11], [sflag:s23] =	dma.local [hbm:s9], s21  }
0xa6: {  	_ =	swait.ge [sflag:s23], s21  }
0xa7: {  	s8 =	ssub.s32 $0x0, s21;
	[sflag:s23] =	ssyncset.done $0x0  }
0xa8: {  	[sflag:s23] =	ssyncadd.s32 s8;
	_ =	sdelay $0x1  }
0xa9: {  	s24 =	simm.s32 $0x1B8B  }
0xaa: {  	_ =	swait.ge [sflag:s24], $0x1  }
0xab: {  	[sflag:s24] =	ssyncset.done $0x0  }
0xac: {  	s25 =	simm.s32 $0x1B8E;
	[sflag:s24] =	ssyncadd.s32 $0xFFFFFFFF  }
0xad: {  	s26 =	simm.s32 $execute0_lowered;
	[smem:$0x3FD2] =	sst s25  }
0xae: {  	s8 =	sshll.u32 s26, $0x1;
	_ =	strace $0x80000046;
	[dreg:$0x1] =	wrdreg $0xFFFFFFFF  }
0xaf: {  	s28 =	simm.s32 $_size_execute0_lowered;
	s7 =	sadd.s32 s7, s8;
	[dreg:$0x0] =	wrdreg $0x0  }
0xb0: {  	s8 =	sshll.u32 s28, $0x1;
	[dreg:$0x2] =	wrdreg s7  }
0xb1: {  	[dreg:$0x3] =	wrdreg s8  }
0xb2: {  	[dreg:$0x4] =	wrdreg $0xC0  }
0xb3: {  	_ =	task [dreg:s11], $0x5FFFF  }
0xb4: {  	[dreg:$0x1] =	wrdreg $0xFFFFFFFF  }
0xb5: {  	[dreg:$0x0] =	wrdreg $0x60  }
0xb6: {  	[dreg:$0x2] =	wrdreg s4  }
0xb7: {  	[dreg:$0x3] =	wrdreg s5  }
0xb8: {  	[dreg:$0x4] =	wrdreg s16  }
0xb9: {  	[dreg:$0x5] =	wrdreg s17  }
0xba: {  	[dreg:$0x6] =	wrdreg s18  }
0xbb: {  	[dreg:$0x7] =	wrdreg $0x9  }
0xbc: {  	_ =	task.clear_ibuf [dreg:s11], $0x8FFFF;
	_ =	strace $0x90000046  }
0xbd: {  	s29 =	simm.s32 $0x9;
	_ =	strace $0x80000048  }
0xbe: {  	_ =	swait.ge [sflag:s29], $0x1  }
0xbf: {  	[sflag:s29] =	ssyncadd.s32 $0xFFFFFFFF  }
0xc0: {  	_ =	strace $0x90000048  }
0xc1: {  	_ =	sfence  }
0xc2: {  	s30 =	sld [smem:$0x0];
	_ =	sdelay $0x2  }
0xc3: {  	s31 =	sshll.u32 s1, $0xD;
	s1 =	sshrl.u32 s1, $0x2  }
0xc4: {  	s3 =	sand.u32 $0x4000, s31;
	s1 =	sadd.s32 s1, s30  }
0xc5: {  	s0 =	sor.u32 s3, s0;
	s1 =	sshll.u32 s1, $0x11  }
0xc6: {  	s0 =	sor.u32 s1, s0  }
0xc7: {  	s0 =	sadd.s32 $0x8F2B, s0  }
0xc8: {  	[sflag:s0] =	ssyncadd.remote.s32 $0x1  }
0xc9: {  	_ =	sfence.sel $0xFFFF  }
0xca: {  	[dreg:$0x0] =	wrdreg $0xFFFFFFFF;
	(pc) =	sbr.abs _section_cstart, $3  }
0xcb: {  	[dreg:$0x1] =	wrdreg $0xFFFFFFFF  }
0xcc: {  	_ =	task.clear_ibuf [dreg:s11], $0x2FFFF;
	_ =	strace $0x9FFFFFFF  }
0xcd: {  	(tm) =	ssettm $0x7FFFFFFF  }
tec
execute0_lowered:
.L_overlay_start_1:
0x0: {  	(tag) =	ssettag $0x1  }
0x1: {  	s2 =	rddreg [dreg:$0x0]  }
0x2: {  	s3 =	rddreg [dreg:$0x1]  }
0x3: {  	s5 =	rddreg [dreg:$0x2]  }
0x4: {  	s22 =	rddreg [dreg:$0x3]  }
0x5: {  	s26 =	rddreg [dreg:$0x4];
	s1 =	stileid.u32  }
0x6: {  	s0 =	rddreg [dreg:$0x5];
	s4 =	srdreg.scid  }
0x7: {  	s8 =	simm.s32 $0x3;
	s6 =	sshll.u32 s1, $0x1;
	s28 =	sand.u32 $0x1, s4  }
0x8: {  	s18 =	sshrl.u32 s1, $0x2;
	s4 =	simm.s32 $0x0;
	s6 =	sand.u32 $0x6, s6  }
0x9: {  	s30 =	sshll.u32 s18, $0x4;
	[smem:$0x7FF] =	sst s4;
	s19 =	sor.u32 s28, s6  }
0xa: {  	s5 =	sadd.s32 s5, s30;
	_ =	strace $0x80000047;
	s7 =	sshll.u32 s19, $0x8  }
0xb: {  	s6 =	simm.s32 $0x80;
	s5 =	sadd.s32 s7, s5;
	s7 =	simm.s32 $0x200  }
0xc: {  	[tilespmem:s4], [sflag:$0x3] =	stream.strided.gather [hbm4b:s5+s6], $0x200, s7, s6, $0x38;
	[tilespmem:$0x1C200] =	vst v63  }
0xd: {  	_ =	swait.ge [sflag:s8], $0x200  }
0xe: {  	[sflag:s8] =	ssyncset.done $0x0  }
0xf: {  	[sflag:s8] =	ssyncadd.s32 $0xFFFFFE00  }
0x10: {  	[tilespmem:s7], [sflag:$0x1] =	stream.indirect.gather [hbm4b:s2+s6], $0x80, s4, s6, $0xb8;
	[tilespmem:$0x1C200] =	vst v63  }
0x11: {  	s9 =	simm.s32 $0x4200  }
0x12: {  	[tilespmem:s9], [sflag:$0x1] =	stream.indirect.gather [hbm4b:s2+s6], $0x80, s6, s6, $0xb8;
	[tilespmem:$0x1C200] =	vst v63  }
0x13: {  	s10 =	simm.s32 $0x100;
	s11 =	simm.s32 $0x8200  }
0x14: {  	[tilespmem:s11], [sflag:$0x1] =	stream.indirect.gather [hbm4b:s2+s6], $0x80, s10, s6, $0xb8;
	[tilespmem:$0x1C200] =	vst v63  }
0x15: {  	s12 =	simm.s32 $0x180;
	s13 =	simm.s32 $0xC200  }
0x16: {  	[tilespmem:s13], [sflag:$0x1] =	stream.indirect.gather [hbm4b:s2+s6], $0x80, s12, s6, $0xb8;
	[tilespmem:$0x1C200] =	vst v63  }
0x17: {  	s14 =	simm.s32 $0x10200  }
0x18: {  	[tilespmem:s14], [sflag:$0x1] =	stream.indirect.gather [hbm4b:s3+s6], $0x80, s4, s6, $0xb8;
	[tilespmem:$0x1C200] =	vst v63  }
0x19: {  	s15 =	simm.s32 $0x14200  }
0x1a: {  	[tilespmem:s15], [sflag:$0x1] =	stream.indirect.gather [hbm4b:s3+s6], $0x80, s6, s6, $0xb8;
	[tilespmem:$0x1C200] =	vst v63  }
0x1b: {  	s16 =	simm.s32 $0x18200;
	s17 =	simm.s32 $0x1  }
0x1c: {  	[tilespmem:s16], [sflag:$0x1] =	stream.indirect.gather [hbm4b:s3+s6], $0x80, s10, s6, $0xb8;
	[tilespmem:$0x1C200] =	vst v63  }
0x1d: {  	s18 =	sshll.u32 s18, $0x10;
	s19 =	sshll.u32 s19, $0xD;
	_ =	swait.ge [sflag:s17], $0x4000  }
0x1e: {  	s23 =	sor.u32 s18, s19;
	[sflag:s17] =	ssyncset.done $0x0  }
0x1f: {  	s18 =	simm.s32 $0x2;
	s19 =	sadd.s32 s22, s23;
	[sflag:s17] =	ssyncadd.s32 $0xFFFFC000  }
0x20: {  	[hbm4b:s19+s4] =	stream.linear.scatter [tilespmem:s7], [sflag:$0x2], $0x4000, $0x38;
	[tilespmem:$0x1C200] =	vst v63  }
0x21: {  	_ =	swait.ge [sflag:s18], $0x4000  }
0x22: {  	[sflag:s18] =	ssyncset.done $0x0  }
0x23: {  	[sflag:s18] =	ssyncadd.s32 $0xFFFFC000  }
0x24: {  	[tilespmem:s7], [sflag:$0x1] =	stream.indirect.gather [hbm4b:s3+s6], $0x80, s12, s6, $0xb8;
	[tilespmem:$0x1C200] =	vst v63  }
0x25: {  	_ =	swait.ge [sflag:s17], $0x4000  }
0x26: {  	s24 =	sor.u32 $0x800, s23;
	[sflag:s17] =	ssyncset.done $0x0  }
0x27: {  	s20 =	sadd.s32 s22, s24;
	[sflag:s17] =	ssyncadd.s32 $0xFFFFC000  }
0x28: {  	[hbm4b:s20+s4] =	stream.linear.scatter [tilespmem:s9], [sflag:$0x2], $0x4000, $0x38;
	[tilespmem:$0x1C200] =	vst v63  }
0x29: {  	_ =	swait.ge [sflag:s17], $0x4000  }
0x2a: {  	s25 =	sor.u32 $0x1000, s23;
	[sflag:s17] =	ssyncset.done $0x0  }
0x2b: {  	s21 =	sadd.s32 s22, s25;
	[sflag:s17] =	ssyncadd.s32 $0xFFFFC000  }
0x2c: {  	[hbm4b:s21+s4] =	stream.linear.scatter [tilespmem:s11], [sflag:$0x2], $0x4000, $0x38;
	[tilespmem:$0x1C200] =	vst v63  }
0x2d: {  	_ =	swait.ge [sflag:s17], $0x4000  }
0x2e: {  	s29 =	sor.u32 $0x1800, s23;
	[sflag:s17] =	ssyncset.done $0x0  }
0x2f: {  	s22 =	sadd.s32 s22, s29;
	[sflag:s17] =	ssyncadd.s32 $0xFFFFC000  }
0x30: {  	[hbm4b:s22+s4] =	stream.linear.scatter [tilespmem:s13], [sflag:$0x2], $0x4000, $0x38;
	[tilespmem:$0x1C200] =	vst v63  }
0x31: {  	_ =	swait.ge [sflag:s17], $0x4000  }
0x32: {  	[sflag:s17] =	ssyncset.done $0x0  }
0x33: {  	s23 =	sadd.s32 s26, s23;
	[sflag:s17] =	ssyncadd.s32 $0xFFFFC000  }
0x34: {  	[hbm4b:s23+s4] =	stream.linear.scatter [tilespmem:s14], [sflag:$0x2], $0x4000, $0x38;
	[tilespmem:$0x1C200] =	vst v63  }
0x35: {  	_ =	swait.ge [sflag:s17], $0x4000  }
0x36: {  	[sflag:s17] =	ssyncset.done $0x0  }
0x37: {  	s24 =	sadd.s32 s26, s24;
	[sflag:s17] =	ssyncadd.s32 $0xFFFFC000  }
0x38: {  	[hbm4b:s24+s4] =	stream.linear.scatter [tilespmem:s15], [sflag:$0x2], $0x4000, $0x38;
	[tilespmem:$0x1C200] =	vst v63  }
0x39: {  	_ =	swait.ge [sflag:s17], $0x4000  }
0x3a: {  	[sflag:s17] =	ssyncset.done $0x0  }
0x3b: {  	s25 =	sadd.s32 s26, s25;
	[sflag:s17] =	ssyncadd.s32 $0xFFFFC000  }
0x3c: {  	[hbm4b:s25+s4] =	stream.linear.scatter [tilespmem:s16], [sflag:$0x2], $0x4000, $0x38;
	[tilespmem:$0x1C200] =	vst v63  }
0x3d: {  	_ =	swait.ge [sflag:s17], $0x4000  }
0x3e: {  	[sflag:s17] =	ssyncset.done $0x0  }
0x3f: {  	s26 =	sadd.s32 s26, s29;
	[sflag:s17] =	ssyncadd.s32 $0xFFFFC000  }
0x40: {  	[hbm4b:s26+s4] =	stream.linear.scatter [tilespmem:s7], [sflag:$0x2], $0x4000, $0x38;
	[tilespmem:$0x1C200] =	vst v63  }
0x41: {  	_ =	swait.ge [sflag:s18], $0x4000  }
0x42: {  	[sflag:s18] =	ssyncset.done $0x0  }
0x43: {  	[sflag:s18] =	ssyncadd.s32 $0xFFFFC000  }
0x44: {  	_ =	swait.ge [sflag:s18], $0x4000  }
0x45: {  	[sflag:s18] =	ssyncset.done $0x0  }
0x46: {  	[sflag:s18] =	ssyncadd.s32 $0xFFFFC000  }
0x47: {  	_ =	swait.ge [sflag:s18], $0x4000  }
0x48: {  	[sflag:s18] =	ssyncset.done $0x0  }
0x49: {  	[sflag:s18] =	ssyncadd.s32 $0xFFFFC000  }
0x4a: {  	_ =	swait.ge [sflag:s18], $0x4000  }
0x4b: {  	s28 =	ssub.s32 $0x2, s28;
	[sflag:s18] =	ssyncset.done $0x0  }
0x4c: {  	s31 =	sshrl.u32 s28, $0x1;
	[sflag:s18] =	ssyncadd.s32 $0xFFFFC000  }
0x4d: {  	s28 =	ssub.s32 s28, s31;
	_ =	swait.ge [sflag:s18], $0x4000  }
0x4e: {  	s28 =	smax.u32 s28, $0x1;
	[sflag:s18] =	ssyncset.done $0x0  }
0x4f: {  	p0 =	sne.s32 s28, $0x1;
	[sflag:s18] =	ssyncadd.s32 $0xFFFFC000  }
.Ltmp0:
0x50: {  	_ =	swait.ge [sflag:s18], $0x4000;
	(pc) =	sbr.rel @!p0 .LBB2_2-.Ltmp0, $4  }
0x51: {  	[sflag:s18] =	ssyncset.done $0x0  }
0x52: {  	[sflag:s18] =	ssyncadd.s32 $0xFFFFC000  }
0x53: {  	_ =	swait.ge [sflag:s18], $0x4000  }
0x54: {  	s28 =	sadd.s32 $0xFFFFFFFF, s28;
	[sflag:s18] =	ssyncset.done $0x0  }
.LBB2_1:
0x55: {  	p0 =	sne.s32 s28, $0x1;
	s28 =	sadd.s32 $0xFFFFFFFF, s28;
	[sflag:s18] =	ssyncadd.s32 $0xFFFFC000  }
0x56: {  	[tilespmem:s4], [sflag:$0x3] =	stream.strided.gather [hbm4b:s5+s6], $0x200, s7, s6, $0x38;
	[tilespmem:$0x1C200] =	vst v63  }
0x57: {  	_ =	swait.ge [sflag:s8], $0x200  }
0x58: {  	[sflag:s8] =	ssyncset.done $0x0  }
0x59: {  	[sflag:s8] =	ssyncadd.s32 $0xFFFFFE00  }
0x5a: {  	[tilespmem:s7], [sflag:$0x1] =	stream.indirect.gather [hbm4b:s2+s6], $0x80, s4, s6, $0xb8;
	[tilespmem:$0x1C200] =	vst v63  }
0x5b: {  	_ = 	snop  }
0x5c: {  	[tilespmem:s9], [sflag:$0x1] =	stream.indirect.gather [hbm4b:s2+s6], $0x80, s6, s6, $0xb8;
	[tilespmem:$0x1C200] =	vst v63  }
0x5d: {  	_ = 	snop  }
0x5e: {  	[tilespmem:s11], [sflag:$0x1] =	stream.indirect.gather [hbm4b:s2+s6], $0x80, s10, s6, $0xb8;
	[tilespmem:$0x1C200] =	vst v63  }
0x5f: {  	_ = 	snop  }
0x60: {  	[tilespmem:s13], [sflag:$0x1] =	stream.indirect.gather [hbm4b:s2+s6], $0x80, s12, s6, $0xb8;
	[tilespmem:$0x1C200] =	vst v63  }
0x61: {  	_ = 	snop  }
0x62: {  	[tilespmem:s14], [sflag:$0x1] =	stream.indirect.gather [hbm4b:s3+s6], $0x80, s4, s6, $0xb8;
	[tilespmem:$0x1C200] =	vst v63  }
0x63: {  	_ = 	snop  }
0x64: {  	[tilespmem:s15], [sflag:$0x1] =	stream.indirect.gather [hbm4b:s3+s6], $0x80, s6, s6, $0xb8;
	[tilespmem:$0x1C200] =	vst v63  }
0x65: {  	_ = 	snop  }
0x66: {  	[tilespmem:s16], [sflag:$0x1] =	stream.indirect.gather [hbm4b:s3+s6], $0x80, s10, s6, $0xb8;
	[tilespmem:$0x1C200] =	vst v63  }
0x67: {  	_ =	swait.ge [sflag:s17], $0x4000  }
0x68: {  	[sflag:s17] =	ssyncset.done $0x0  }
0x69: {  	[sflag:s17] =	ssyncadd.s32 $0xFFFFC000  }
0x6a: {  	[hbm4b:s19+s4] =	stream.linear.scatter [tilespmem:s7], [sflag:$0x2], $0x4000, $0x38;
	[tilespmem:$0x1C200] =	vst v63  }
0x6b: {  	_ =	swait.ge [sflag:s18], $0x4000  }
0x6c: {  	[sflag:s18] =	ssyncset.done $0x0  }
0x6d: {  	[sflag:s18] =	ssyncadd.s32 $0xFFFFC000  }
0x6e: {  	[tilespmem:s7], [sflag:$0x1] =	stream.indirect.gather [hbm4b:s3+s6], $0x80, s12, s6, $0xb8;
	[tilespmem:$0x1C200] =	vst v63  }
0x6f: {  	_ =	swait.ge [sflag:s17], $0x4000  }
0x70: {  	[sflag:s17] =	ssyncset.done $0x0  }
0x71: {  	[sflag:s17] =	ssyncadd.s32 $0xFFFFC000  }
0x72: {  	[hbm4b:s20+s4] =	stream.linear.scatter [tilespmem:s9], [sflag:$0x2], $0x4000, $0x38;
	[tilespmem:$0x1C200] =	vst v63  }
0x73: {  	_ =	swait.ge [sflag:s17], $0x4000  }
0x74: {  	[sflag:s17] =	ssyncset.done $0x0  }
0x75: {  	[sflag:s17] =	ssyncadd.s32 $0xFFFFC000  }
0x76: {  	[hbm4b:s21+s4] =	stream.linear.scatter [tilespmem:s11], [sflag:$0x2], $0x4000, $0x38;
	[tilespmem:$0x1C200] =	vst v63  }
0x77: {  	_ =	swait.ge [sflag:s17], $0x4000  }
0x78: {  	[sflag:s17] =	ssyncset.done $0x0  }
0x79: {  	[sflag:s17] =	ssyncadd.s32 $0xFFFFC000  }
0x7a: {  	[hbm4b:s22+s4] =	stream.linear.scatter [tilespmem:s13], [sflag:$0x2], $0x4000, $0x38;
	[tilespmem:$0x1C200] =	vst v63  }
0x7b: {  	_ =	swait.ge [sflag:s17], $0x4000  }
0x7c: {  	[sflag:s17] =	ssyncset.done $0x0  }
0x7d: {  	[sflag:s17] =	ssyncadd.s32 $0xFFFFC000  }
0x7e: {  	[hbm4b:s23+s4] =	stream.linear.scatter [tilespmem:s14], [sflag:$0x2], $0x4000, $0x38;
	[tilespmem:$0x1C200] =	vst v63  }
0x7f: {  	_ =	swait.ge [sflag:s17], $0x4000  }
0x80: {  	[sflag:s17] =	ssyncset.done $0x0  }
0x81: {  	[sflag:s17] =	ssyncadd.s32 $0xFFFFC000  }
0x82: {  	[hbm4b:s24+s4] =	stream.linear.scatter [tilespmem:s15], [sflag:$0x2], $0x4000, $0x38;
	[tilespmem:$0x1C200] =	vst v63  }
0x83: {  	_ =	swait.ge [sflag:s17], $0x4000  }
0x84: {  	[sflag:s17] =	ssyncset.done $0x0  }
0x85: {  	[sflag:s17] =	ssyncadd.s32 $0xFFFFC000  }
0x86: {  	[hbm4b:s25+s4] =	stream.linear.scatter [tilespmem:s16], [sflag:$0x2], $0x4000, $0x38;
	[tilespmem:$0x1C200] =	vst v63  }
0x87: {  	_ =	swait.ge [sflag:s17], $0x4000  }
0x88: {  	[sflag:s17] =	ssyncset.done $0x0  }
0x89: {  	[sflag:s17] =	ssyncadd.s32 $0xFFFFC000  }
0x8a: {  	[hbm4b:s26+s4] =	stream.linear.scatter [tilespmem:s7], [sflag:$0x2], $0x4000, $0x38;
	[tilespmem:$0x1C200] =	vst v63  }
0x8b: {  	_ =	swait.ge [sflag:s18], $0x4000  }
0x8c: {  	[sflag:s18] =	ssyncset.done $0x0  }
0x8d: {  	[sflag:s18] =	ssyncadd.s32 $0xFFFFC000  }
0x8e: {  	_ =	swait.ge [sflag:s18], $0x4000  }
0x8f: {  	[sflag:s18] =	ssyncset.done $0x0  }
0x90: {  	[sflag:s18] =	ssyncadd.s32 $0xFFFFC000  }
0x91: {  	_ =	swait.ge [sflag:s18], $0x4000  }
0x92: {  	[sflag:s18] =	ssyncset.done $0x0  }
0x93: {  	[sflag:s18] =	ssyncadd.s32 $0xFFFFC000  }
0x94: {  	_ =	swait.ge [sflag:s18], $0x4000  }
0x95: {  	[sflag:s18] =	ssyncset.done $0x0  }
0x96: {  	[sflag:s18] =	ssyncadd.s32 $0xFFFFC000  }
0x97: {  	_ =	swait.ge [sflag:s18], $0x4000  }
0x98: {  	[sflag:s18] =	ssyncset.done $0x0  }
0x99: {  	[sflag:s18] =	ssyncadd.s32 $0xFFFFC000  }
.Ltmp1:
0x9a: {  	_ =	swait.ge [sflag:s18], $0x4000;
	(pc) =	sbr.rel @p0 .LBB2_1-.Ltmp1, $4  }
0x9b: {  	[sflag:s18] =	ssyncset.done $0x0  }
0x9c: {  	[sflag:s18] =	ssyncadd.s32 $0xFFFFC000  }
0x9d: {  	_ =	swait.ge [sflag:s18], $0x4000  }
0x9e: {  	[sflag:s18] =	ssyncset.done $0x0  }
.LBB2_2:
0x9f: {  	[sflag:s18] =	ssyncadd.s32 $0xFFFFC000  }
0xa0: {  	_ =	sfence.sel $0x180000  }
0xa1: {  	[bflag:$0x0] =	sbarrier.arrive $0xFFFF  }
0xa2: {  	p0 =	sne.s32 s1, $0x0;
	_ =	strace $0x90000047  }
0xa3: {  	s0 =	sadd.s32 @!p0 $0x100000, s0;
	[bflag:$0x2] =	sbarrier.arrive $0xFFFF  }
0xa4: {  	[sflag:s0] =	ssyncadd.tile.s32 @!p0 $0x1;
	_ =	shalt  }
.Lfunc_end2:
_tile_overlayer_lowered:
.L_overlay_start_2:
0xa5: {  	(tag) =	ssettag $0x2  }
0xa6: {  	s0 =	rddreg [dreg:$0x0];
	s2 =	stileid.u32  }
0xa7: {  	s1 =	rddreg [dreg:$0x1];
	p0 =	sne.s32 s2, $0x0  }
0xa8: {  	s3 =	rddreg [dreg:$0x2];
	[bflag:$0x3] =	sbarrier.arrive $0xFFFF;
	s2 =	simm.s32 @!p0 $0x1C03  }
0xa9: {  	[timem:s3], [sflag:s2] =	dma.local @!p0 [hbm:s0], s1  }
0xaa: {  	s0 =	simm.s32 @!p0 $0x3  }
0xab: {  	_ =	swait.ge @!p0 [sflag:s0], s1  }
0xac: {  	s1 =	ssub.s32 @!p0 $0x0, s1;
	[sflag:s0] =	ssyncset.done @!p0 $0x0  }
0xad: {  	[sflag:s0] =	ssyncadd.s32 @!p0 s1  }
0xae: {  	[bflag:$0x3] =	sbarrier.arrive $0xFFFF  }
0xaf: {  	_ =	shalt  }

</sc_bundles>
